<compile_context>
chip_gen: v7x
topology: tpu7x:2x2x1
jax: 0.10.2.dev20260603
libtpu: 0.0.44.dev20260713+nightly
codegen_flags: <defaults>
</compile_context>

<pallas_src>
import dataclasses
import functools

import jax
import jax.numpy as jnp
from jax import lax
from jax.experimental import pallas as pl
from jax.experimental.pallas import tpu as pltpu
from jax.experimental.pallas import tpu_sc as plsc

N_BINS = 20
STRENGTH = 0.7

BS = 8
TOTAL = BS * 128 * 128 * 128
NC, NS, L = 2, 16, 16
NW = NC * NS
PER_W = TOTAL // NW
BLK = 16384
NBLK = PER_W // BLK


def _table_body(ry_ref, rysh_ref, slope_ref, icept_ref):
    col = lax.broadcasted_iota(jnp.int32, (BS, 128), 1).astype(jnp.float32)
    step = jnp.float32(1.0 / (N_BINS - 1))
    lin0 = col * step
    lin1 = (col + 1.0) * step
    w = jnp.float32(STRENGTH)
    y0 = ry_ref[...] * w + lin0 * (1.0 - w)
    y1 = rysh_ref[...] * w + lin1 * (1.0 - w)
    valid = col < float(N_BINS)
    big = jnp.float32(1e30)
    ymin = jnp.min(jnp.where(valid, y0, big), axis=1, keepdims=True)
    ymax = jnp.max(jnp.where(valid, y0, -big), axis=1, keepdims=True)
    d = ymax - ymin + jnp.float32(1e-5)
    y0n = (y0 - ymin) / d
    y1n = (y1 - ymin) / d
    slope = (y1n - y0n) / (lin1 - lin0)
    slope_ref[...] = slope
    icept_ref[...] = y0n - slope * lin0


def _make_tables(ran_y):
    ry = jnp.zeros((BS, 128), jnp.float32).at[:, :N_BINS].set(ran_y)
    rysh = jnp.zeros((BS, 128), jnp.float32).at[:, : N_BINS - 1].set(ran_y[:, 1:])
    return pl.pallas_call(
        _table_body,
        out_shape=(
            jax.ShapeDtypeStruct((BS, 128), jnp.float32),
            jax.ShapeDtypeStruct((BS, 128), jnp.float32),
        ),
    )(ry, rysh)


@functools.cache
def _build_sc_lut():
    mesh = plsc.VectorSubcoreMesh(
        core_axis_name="c", subcore_axis_name="s", num_cores=NC, num_subcores=NS
    )
    cp = pltpu.CompilerParams()
    if "needs_layout_passes" in pltpu.CompilerParams.__dataclass_fields__:
        cp = dataclasses.replace(cp, needs_layout_passes=False)
    return pl.kernel(
        _sc_lut_body,
        out_type=jax.ShapeDtypeStruct((TOTAL,), jnp.float32),
        mesh=mesh,
        scratch_types=[
            pltpu.VMEM((128,), jnp.float32),
            pltpu.VMEM((128,), jnp.float32),
            pltpu.VMEM((2, BLK), jnp.float32),
            pltpu.VMEM((2, BLK), jnp.float32),
            pltpu.SemaphoreType.DMA,
            pltpu.SemaphoreType.DMA,
            pltpu.SemaphoreType.DMA,
            pltpu.SemaphoreType.DMA,
        ],
        compiler_params=cp,
    )


def _sc_lut_body(x_hbm, slope_hbm, icept_hbm, out_hbm,
                 tab_s, tab_i, ibuf, obuf, si0, si1, so0, so1):
    wid = lax.axis_index("s") * NC + lax.axis_index("c")
    batch = wid // (NW // BS)
    base = wid * PER_W
    pltpu.sync_copy(slope_hbm.at[batch], tab_s)
    pltpu.sync_copy(icept_hbm.at[batch], tab_i)
    isems = (si0, si1)
    osems = (so0, so1)

    def in_copy(jj, slot):
        return pltpu.make_async_copy(
            x_hbm.at[pl.ds(base + jj * BLK, BLK)], ibuf.at[slot], isems[slot])

    def out_copy(jj, slot):
        return pltpu.make_async_copy(
            obuf.at[slot], out_hbm.at[pl.ds(base + jj * BLK, BLK)], osems[slot])

    def compute(slot):
        @plsc.parallel_loop(0, BLK, step=L, unroll=8)
        def _(i):
            v = ibuf[slot, pl.ds(i, L)]
            t = v * jnp.float32(N_BINS - 1)
            t = jnp.minimum(t, jnp.float32(18.999998))
            t = jnp.maximum(t, jnp.float32(0.0))
            idx = t.astype(jnp.int32)
            s = plsc.load_gather(tab_s, [idx])
            a = plsc.load_gather(tab_i, [idx])
            obuf[slot, pl.ds(i, L)] = a + s * v

    in_copy(0, 0).start()
    in_copy(1, 1).start()

    @pl.loop(0, NBLK, step=2)
    def _(j):
        for slot in range(2):
            jj = j + slot
            in_copy(jj, slot).wait()

            @pl.when(jj >= 2)
            def _():
                out_copy(jj - 2, slot).wait()

            compute(slot)
            out_copy(jj, slot).start()

            @pl.when(jj + 2 < NBLK)
            def _():
                in_copy(jj + 2, slot).start()

    out_copy(NBLK - 2, 0).wait()
    out_copy(NBLK - 1, 1).wait()


def kernel(x, ran_y):
    slope, icept = _make_tables(ran_y.astype(jnp.float32))
    out_flat = _build_sc_lut()(x.reshape(TOTAL), slope, icept)
    return out_flat.reshape(x.shape)

# --- scband reference (transcript-rebuilt; emitter-appended) ---
"""Pipeline reference for scband-aug-lut-36455682408915 (READ-ONLY COPY).

The authoritative reference and input builder live on the scoring server;
editing this copy changes nothing except your own understanding.
"""

import jax, jax.numpy as jnp
import numpy as np

N_BINS = 20
STRENGTH = 0.7


def interp1d_batched(x, y, x_new):
    # x: [B, n_bins] sorted, y: [B, n_bins], x_new: [B, P]
    idx = jax.vmap(lambda xv, xnv: jnp.searchsorted(xv, xnv, side='right'))(x, x_new) - 1
    idx = jnp.clip(idx, 0, x.shape[-1] - 2)
    x0 = jnp.take_along_axis(x, idx, axis=1)
    x1 = jnp.take_along_axis(x, idx + 1, axis=1)
    y0 = jnp.take_along_axis(y, idx, axis=1)
    y1 = jnp.take_along_axis(y, idx + 1, axis=1)
    slope = (y1 - y0) / (x1 - x0)
    return y0 + slope * (x_new - x0)


def setup_inputs(seed: int = 0) -> dict:
    key = jax.random.key(seed)
    k1, k2 = jax.random.split(key)
    x = jax.random.uniform(k1, (8, 1, 128, 128, 128), dtype=jnp.float32)
    # random LUT y-values (generated internally by the torch module via torch.rand;
    # externalized here for determinism)
    ran_y = jax.random.uniform(k2, (8, N_BINS), dtype=jnp.float32)
    return {"x": x, "ran_y": ran_y}


def reference(x, ran_y):
    bs = x.shape[0]
    ran_x = jnp.broadcast_to(jnp.linspace(0.0, 1.0, N_BINS, dtype=x.dtype)[None, :], (bs, N_BINS))
    lin_y = jnp.broadcast_to(jnp.linspace(0.0, 1.0, N_BINS, dtype=x.dtype)[None, :], (bs, N_BINS))
    y = ran_y * STRENGTH + lin_y * (1.0 - STRENGTH)
    y_min = jnp.min(y, axis=1, keepdims=True)
    y_max = jnp.max(y, axis=1, keepdims=True)
    y = (y - y_min) / (y_max - y_min + 1e-05)
    out = interp1d_batched(ran_x, y, x.reshape(bs, -1)).reshape(x.shape)
    return out

if __name__ == "__main__":
    import jax
    _d = setup_inputs()
    print(jax.jit(kernel)(*tuple(_d.values())))

</pallas_src>

<mosaic_0001>
#map = affine_map<(d0, d1) -> (0)>
#map1 = affine_map<(d0, d1) -> (0, 0)>
module attributes {stable_mosaic.version = 14 : i64} {
  func.func @_sc_lut_body(%arg0: i32, %arg1: i32, %arg2: memref<16777216xf32, #tpu.memory_space<hbm>>, %arg3: memref<8x128xf32, #tpu.memory_space<hbm>>, %arg4: memref<8x128xf32, #tpu.memory_space<hbm>>, %arg5: memref<16777216xf32, #tpu.memory_space<hbm>>, %arg6: memref<128xf32, #tpu.memory_space<vmem>>, %arg7: memref<128xf32, #tpu.memory_space<vmem>>, %arg8: memref<2x16384xf32, #tpu.memory_space<vmem>>, %arg9: memref<2x16384xf32, #tpu.memory_space<vmem>>, %arg10: memref<!tpu.dma_semaphore, #tpu.memory_space<semaphore_mem>>, %arg11: memref<!tpu.dma_semaphore, #tpu.memory_space<semaphore_mem>>, %arg12: memref<!tpu.dma_semaphore, #tpu.memory_space<semaphore_mem>>, %arg13: memref<!tpu.dma_semaphore, #tpu.memory_space<semaphore_mem>>) attributes {dimension_semantics = [#tpu.dimension_semantics<core_parallel>, #tpu.dimension_semantics<subcore_parallel>], iteration_bounds = array<i64: 2, 16>, scalar_prefetch = 0 : i64, scratch_operands = 8 : i64, tpu.core_type = #tpu.core_type<sc_vector_subcore>, window_params = [{transform_indices = #map}, {transform_indices = #map1}, {transform_indices = #map1}, {transform_indices = #map}]} {
    %mul3A = arith.constant 2 : i32
    %mul3A_0 = arith.muli %arg1, %mul3A : i32
    %add3A = arith.addi %mul3A_0, %arg0 : i32
    %jit3A = arith.constant 4 : i32
    %div3A = arith.divsi %add3A, %jit3A : i32
    %sign3A = arith.constant 0 : i32
    %sign3A_1 = arith.cmpi sgt, %add3A, %sign3A : i32
    %sign3A_2 = arith.extui %sign3A_1 : i1 to i32
    %sign3A_3 = arith.constant 0 : i32
    %sign3A_4 = arith.cmpi slt, %add3A, %sign3A_3 : i32
    %sign3A_5 = arith.extui %sign3A_4 : i1 to i32
    %sign3A_6 = arith.subi %sign3A_2, %sign3A_5 : i32
    %sign3A_7 = arith.constant 0 : i32
    %sign3A_8 = arith.cmpi sgt, %jit3A, %sign3A_7 : i32
    %sign3A_9 = arith.extui %sign3A_8 : i1 to i32
    %sign3A_10 = arith.constant 0 : i32
    %sign3A_11 = arith.cmpi slt, %jit3A, %sign3A_10 : i32
    %sign3A_12 = arith.extui %sign3A_11 : i1 to i32
    %sign3A_13 = arith.subi %sign3A_9, %sign3A_12 : i32
    %ne3A = arith.cmpi ne, %sign3A_6, %sign3A_13 : i32
    %rem3A = arith.remsi %add3A, %jit3A : i32
    %ne3A_14 = arith.constant 0 : i32
    %ne3A_15 = arith.cmpi ne, %rem3A, %ne3A_14 : i32
    %and3A = arith.andi %ne3A, %ne3A_15 : i1
    %sub3A = arith.constant 1 : i32
    %sub3A_16 = arith.subi %div3A, %sub3A : i32
    %select_n3A = arith.select %and3A, %sub3A_16, %div3A : i32
    %mul3A_17 = arith.constant 524288 : i32
    %mul3A_18 = arith.muli %add3A, %mul3A_17 : i32
    "tpu.region"() ({
      %run_scoped3A = tpu.sem_alloc : memref<!tpu.dma_semaphore, #tpu.memory_space<semaphore_mem>>
      %dma_start3A_65 = arith.constant 0 : i32
      %dma_start3A_66 = tpu.memref_slice %arg3[%select_n3A, %dma_start3A_65] : memref<8x128xf32, #tpu.memory_space<hbm>> -> memref<1x128xf32, #tpu.memory_space<hbm>>
      %dma_start3A_67 = tpu.memref_squeeze %dma_start3A_66 : memref<1x128xf32, #tpu.memory_space<hbm>> -> memref<128xf32, #tpu.memory_space<hbm>>
      %dma_start3A_68 = arith.constant 0 : i32
      %dma_start3A_69 = tpu.memref_slice %arg3[%select_n3A, %dma_start3A_68] : memref<8x128xf32, #tpu.memory_space<hbm>> -> memref<1x128xf32, #tpu.memory_space<hbm>>
      %dma_start3A_70 = tpu.memref_squeeze %dma_start3A_69 : memref<1x128xf32, #tpu.memory_space<hbm>> -> memref<128xf32, #tpu.memory_space<hbm>>
      tpu.enqueue_dma source(%dma_start3A_70 : memref<128xf32, #tpu.memory_space<hbm>>) target(%arg6 : memref<128xf32, #tpu.memory_space<vmem>>) target_semaphore(%run_scoped3A : memref<!tpu.dma_semaphore, #tpu.memory_space<semaphore_mem>>)
      %dma_wait3A_71 = arith.constant 0 : i32
      %dma_wait3A_72 = tpu.memref_slice %arg3[%select_n3A, %dma_wait3A_71] : memref<8x128xf32, #tpu.memory_space<hbm>> -> memref<1x128xf32, #tpu.memory_space<hbm>>
      %dma_wait3A_73 = tpu.memref_squeeze %dma_wait3A_72 : memref<1x128xf32, #tpu.memory_space<hbm>> -> memref<128xf32, #tpu.memory_space<hbm>>
      %dma_wait3A_74 = arith.constant 0 : i32
      %dma_wait3A_75 = tpu.memref_slice %arg3[%select_n3A, %dma_wait3A_74] : memref<8x128xf32, #tpu.memory_space<hbm>> -> memref<1x128xf32, #tpu.memory_space<hbm>>
      %dma_wait3A_76 = tpu.memref_squeeze %dma_wait3A_75 : memref<1x128xf32, #tpu.memory_space<hbm>> -> memref<128xf32, #tpu.memory_space<hbm>>
      tpu.wait_dma2 semaphore(%run_scoped3A : memref<!tpu.dma_semaphore, #tpu.memory_space<semaphore_mem>>) src(%dma_wait3A_76 : memref<128xf32, #tpu.memory_space<hbm>>) dst(%arg6 : memref<128xf32, #tpu.memory_space<vmem>>)
      tpu.yield
    }) : () -> ()
    "tpu.region"() ({
      %run_scoped3A = tpu.sem_alloc : memref<!tpu.dma_semaphore, #tpu.memory_space<semaphore_mem>>
      %dma_start3A_65 = arith.constant 0 : i32
      %dma_start3A_66 = tpu.memref_slice %arg4[%select_n3A, %dma_start3A_65] : memref<8x128xf32, #tpu.memory_space<hbm>> -> memref<1x128xf32, #tpu.memory_space<hbm>>
      %dma_start3A_67 = tpu.memref_squeeze %dma_start3A_66 : memref<1x128xf32, #tpu.memory_space<hbm>> -> memref<128xf32, #tpu.memory_space<hbm>>
      %dma_start3A_68 = arith.constant 0 : i32
      %dma_start3A_69 = tpu.memref_slice %arg4[%select_n3A, %dma_start3A_68] : memref<8x128xf32, #tpu.memory_space<hbm>> -> memref<1x128xf32, #tpu.memory_space<hbm>>
      %dma_start3A_70 = tpu.memref_squeeze %dma_start3A_69 : memref<1x128xf32, #tpu.memory_space<hbm>> -> memref<128xf32, #tpu.memory_space<hbm>>
      tpu.enqueue_dma source(%dma_start3A_70 : memref<128xf32, #tpu.memory_space<hbm>>) target(%arg7 : memref<128xf32, #tpu.memory_space<vmem>>) target_semaphore(%run_scoped3A : memref<!tpu.dma_semaphore, #tpu.memory_space<semaphore_mem>>)
      %dma_wait3A_71 = arith.constant 0 : i32
      %dma_wait3A_72 = tpu.memref_slice %arg4[%select_n3A, %dma_wait3A_71] : memref<8x128xf32, #tpu.memory_space<hbm>> -> memref<1x128xf32, #tpu.memory_space<hbm>>
      %dma_wait3A_73 = tpu.memref_squeeze %dma_wait3A_72 : memref<1x128xf32, #tpu.memory_space<hbm>> -> memref<128xf32, #tpu.memory_space<hbm>>
      %dma_wait3A_74 = arith.constant 0 : i32
      %dma_wait3A_75 = tpu.memref_slice %arg4[%select_n3A, %dma_wait3A_74] : memref<8x128xf32, #tpu.memory_space<hbm>> -> memref<1x128xf32, #tpu.memory_space<hbm>>
      %dma_wait3A_76 = tpu.memref_squeeze %dma_wait3A_75 : memref<1x128xf32, #tpu.memory_space<hbm>> -> memref<128xf32, #tpu.memory_space<hbm>>
      tpu.wait_dma2 semaphore(%run_scoped3A : memref<!tpu.dma_semaphore, #tpu.memory_space<semaphore_mem>>) src(%dma_wait3A_76 : memref<128xf32, #tpu.memory_space<hbm>>) dst(%arg7 : memref<128xf32, #tpu.memory_space<vmem>>)
      tpu.yield
    }) : () -> ()
    %add3A_19 = arith.constant 0 : i32
    %add3A_20 = arith.addi %mul3A_18, %add3A_19 : i32
    %dma_start3A = arith.constant 0 : i32
    %dma_start3A_21 = arith.constant 0 : i32
    %dma_start3A_22 = tpu.memref_slice %arg8[%dma_start3A, %dma_start3A_21] : memref<2x16384xf32, #tpu.memory_space<vmem>> -> memref<1x16384xf32, #tpu.memory_space<vmem>>
    %dma_start3A_23 = tpu.memref_squeeze %dma_start3A_22 : memref<1x16384xf32, #tpu.memory_space<vmem>> -> memref<16384xf32, #tpu.memory_space<vmem>>
    %dma_start3A_24 = tpu.memref_slice %arg2[%add3A_20] : memref<16777216xf32, #tpu.memory_space<hbm>> -> memref<16384xf32, #tpu.memory_space<hbm>>
    %dma_start3A_25 = arith.constant 0 : i32
    %dma_start3A_26 = tpu.memref_slice %arg8[%dma_start3A, %dma_start3A_25] : memref<2x16384xf32, #tpu.memory_space<vmem>> -> memref<1x16384xf32, #tpu.memory_space<vmem>>
    %dma_start3A_27 = tpu.memref_squeeze %dma_start3A_26 : memref<1x16384xf32, #tpu.memory_space<vmem>> -> memref<16384xf32, #tpu.memory_space<vmem>>
    %dma_start3A_28 = tpu.memref_slice %arg2[%add3A_20] : memref<16777216xf32, #tpu.memory_space<hbm>> -> memref<16384xf32, #tpu.memory_space<hbm>>
    tpu.enqueue_dma source(%dma_start3A_28 : memref<16384xf32, #tpu.memory_space<hbm>>) target(%dma_start3A_27 : memref<16384xf32, #tpu.memory_space<vmem>>) target_semaphore(%arg10 : memref<!tpu.dma_semaphore, #tpu.memory_space<semaphore_mem>>)
    %add3A_29 = arith.constant 16384 : i32
    %add3A_30 = arith.addi %mul3A_18, %add3A_29 : i32
    %dma_start3A_31 = arith.constant 1 : i32
    %dma_start3A_32 = arith.constant 0 : i32
    %dma_start3A_33 = tpu.memref_slice %arg8[%dma_start3A_31, %dma_start3A_32] : memref<2x16384xf32, #tpu.memory_space<vmem>> -> memref<1x16384xf32, #tpu.memory_space<vmem>>
    %dma_start3A_34 = tpu.memref_squeeze %dma_start3A_33 : memref<1x16384xf32, #tpu.memory_space<vmem>> -> memref<16384xf32, #tpu.memory_space<vmem>>
    %dma_start3A_35 = tpu.memref_slice %arg2[%add3A_30] : memref<16777216xf32, #tpu.memory_space<hbm>> -> memref<16384xf32, #tpu.memory_space<hbm>>
    %dma_start3A_36 = arith.constant 0 : i32
    %dma_start3A_37 = tpu.memref_slice %arg8[%dma_start3A_31, %dma_start3A_36] : memref<2x16384xf32, #tpu.memory_space<vmem>> -> memref<1x16384xf32, #tpu.memory_space<vmem>>
    %dma_start3A_38 = tpu.memref_squeeze %dma_start3A_37 : memref<1x16384xf32, #tpu.memory_space<vmem>> -> memref<16384xf32, #tpu.memory_space<vmem>>
    %dma_start3A_39 = tpu.memref_slice %arg2[%add3A_30] : memref<16777216xf32, #tpu.memory_space<hbm>> -> memref<16384xf32, #tpu.memory_space<hbm>>
    tpu.enqueue_dma source(%dma_start3A_39 : memref<16384xf32, #tpu.memory_space<hbm>>) target(%dma_start3A_38 : memref<16384xf32, #tpu.memory_space<vmem>>) target_semaphore(%arg11 : memref<!tpu.dma_semaphore, #tpu.memory_space<semaphore_mem>>)
    %scan3A = arith.constant 0 : i32
    %scan3A_40 = arith.constant 16 : i32
    %scan3A_41 = arith.addi %scan3A, %scan3A_40 : i32
    %scan3A_42 = arith.constant 1 : i32
    scf.for %scan3A_65 = %scan3A to %scan3A_41 step %scan3A_42  : i32 {
      %mul3A_66 = arith.constant 2 : i32
      %mul3A_67 = arith.muli %scan3A_65, %mul3A_66 : i32
      %add3A_68 = arith.constant 0 : i32
      %add3A_69 = arith.addi %add3A_68, %mul3A_67 : i32
      %add3A_70 = arith.constant 0 : i32
      %add3A_71 = arith.addi %add3A_69, %add3A_70 : i32
      %mul3A_72 = arith.constant 16384 : i32
      %mul3A_73 = arith.muli %add3A_71, %mul3A_72 : i32
      %add3A_74 = arith.addi %mul3A_18, %mul3A_73 : i32
      %dma_wait3A_75 = arith.constant 0 : i32
      %dma_wait3A_76 = arith.constant 0 : i32
      %dma_wait3A_77 = tpu.memref_slice %arg8[%dma_wait3A_75, %dma_wait3A_76] : memref<2x16384xf32, #tpu.memory_space<vmem>> -> memref<1x16384xf32, #tpu.memory_space<vmem>>
      %dma_wait3A_78 = tpu.memref_squeeze %dma_wait3A_77 : memref<1x16384xf32, #tpu.memory_space<vmem>> -> memref<16384xf32, #tpu.memory_space<vmem>>
      %dma_wait3A_79 = tpu.memref_slice %arg2[%add3A_74] : memref<16777216xf32, #tpu.memory_space<hbm>> -> memref<16384xf32, #tpu.memory_space<hbm>>
      %dma_wait3A_80 = arith.constant 0 : i32
      %dma_wait3A_81 = tpu.memref_slice %arg8[%dma_wait3A_75, %dma_wait3A_80] : memref<2x16384xf32, #tpu.memory_space<vmem>> -> memref<1x16384xf32, #tpu.memory_space<vmem>>
      %dma_wait3A_82 = tpu.memref_squeeze %dma_wait3A_81 : memref<1x16384xf32, #tpu.memory_space<vmem>> -> memref<16384xf32, #tpu.memory_space<vmem>>
      %dma_wait3A_83 = tpu.memref_slice %arg2[%add3A_74] : memref<16777216xf32, #tpu.memory_space<hbm>> -> memref<16384xf32, #tpu.memory_space<hbm>>
      tpu.wait_dma2 semaphore(%arg10 : memref<!tpu.dma_semaphore, #tpu.memory_space<semaphore_mem>>) src(%dma_wait3A_83 : memref<16384xf32, #tpu.memory_space<hbm>>) dst(%dma_wait3A_82 : memref<16384xf32, #tpu.memory_space<vmem>>)
      %ge3A = arith.constant 2 : i32
      %ge3A_84 = arith.cmpi sge, %add3A_71, %ge3A : i32
      %convert_element_type3A = arith.extui %ge3A_84 : i1 to i32
      %cond3A = arith.constant 0 : i32
      %cond3A_85 = arith.cmpi ne, %convert_element_type3A, %cond3A : i32
      scf.if %cond3A_85 {
        %sub3A_147 = arith.constant 2 : i32
        %sub3A_148 = arith.subi %add3A_71, %sub3A_147 : i32
        %mul3A_149 = arith.constant 16384 : i32
        %mul3A_150 = arith.muli %sub3A_148, %mul3A_149 : i32
        %add3A_151 = arith.addi %mul3A_18, %mul3A_150 : i32
        %dma_wait3A_152 = arith.constant 0 : i32
        %dma_wait3A_153 = arith.constant 0 : i32
        %dma_wait3A_154 = tpu.memref_slice %arg9[%dma_wait3A_152, %dma_wait3A_153] : memref<2x16384xf32, #tpu.memory_space<vmem>> -> memref<1x16384xf32, #tpu.memory_space<vmem>>
        %dma_wait3A_155 = tpu.memref_squeeze %dma_wait3A_154 : memref<1x16384xf32, #tpu.memory_space<vmem>> -> memref<16384xf32, #tpu.memory_space<vmem>>
        %dma_wait3A_156 = tpu.memref_slice %arg5[%add3A_151] : memref<16777216xf32, #tpu.memory_space<hbm>> -> memref<16384xf32, #tpu.memory_space<hbm>>
        %dma_wait3A_157 = tpu.memref_slice %arg5[%add3A_151] : memref<16777216xf32, #tpu.memory_space<hbm>> -> memref<16384xf32, #tpu.memory_space<hbm>>
        %dma_wait3A_158 = arith.constant 0 : i32
        %dma_wait3A_159 = tpu.memref_slice %arg9[%dma_wait3A_152, %dma_wait3A_158] : memref<2x16384xf32, #tpu.memory_space<vmem>> -> memref<1x16384xf32, #tpu.memory_space<vmem>>
        %dma_wait3A_160 = tpu.memref_squeeze %dma_wait3A_159 : memref<1x16384xf32, #tpu.memory_space<vmem>> -> memref<16384xf32, #tpu.memory_space<vmem>>
        tpu.wait_dma2 semaphore(%arg12 : memref<!tpu.dma_semaphore, #tpu.memory_space<semaphore_mem>>) src(%dma_wait3A_160 : memref<16384xf32, #tpu.memory_space<vmem>>) dst(%dma_wait3A_157 : memref<16384xf32, #tpu.memory_space<hbm>>)
      } else {
      }
      %parallel_loop3A = arith.constant 0 : i32
      %parallel_loop3A_86 = arith.constant 16384 : i32
      %parallel_loop3A_87 = arith.constant 16 : i32
      scf.for %parallel_loop3A_147 = %parallel_loop3A to %parallel_loop3A_86 step %parallel_loop3A_87  : i32 {
        %parallel_loop3A_148 = arith.constant 0 : i32
        %parallel_loop3A_149 = arith.index_cast %parallel_loop3A_148 : i32 to index
        %parallel_loop3A_150 = arith.index_cast %parallel_loop3A_147 : i32 to index
        %parallel_loop3A_151 = tpu.vector_load %arg8[%parallel_loop3A_149, %parallel_loop3A_150] {strides = array<i32>} : memref<2x16384xf32, #tpu.memory_space<vmem>>, vector<16xf32>,
        %parallel_loop3A_152 = arith.constant 1.900000e+01 : f32
        %parallel_loop3A_153 = vector.broadcast %parallel_loop3A_152 : f32 to vector<16xf32>
        %parallel_loop3A_154 = arith.mulf %parallel_loop3A_151, %parallel_loop3A_153 : vector<16xf32>
        %parallel_loop3A_155 = arith.constant 18.9999981 : f32
        %parallel_loop3A_156 = vector.broadcast %parallel_loop3A_155 : f32 to vector<16xf32>
        %parallel_loop3A_157 = arith.minimumf %parallel_loop3A_154, %parallel_loop3A_156 : vector<16xf32>
        %parallel_loop3A_158 = arith.constant 0.000000e+00 : f32
        %parallel_loop3A_159 = vector.broadcast %parallel_loop3A_158 : f32 to vector<16xf32>
        %parallel_loop3A_160 = arith.maximumf %parallel_loop3A_157, %parallel_loop3A_159 : vector<16xf32>
        %parallel_loop3A_161 = arith.fptosi %parallel_loop3A_160 : vector<16xf32> to vector<16xi32>
        %parallel_loop3A_162 = tpu.vector_load_idx %arg6[%parallel_loop3A_161] : memref<128xf32, #tpu.memory_space<vmem>>[vector<16xi32>], vector<16xf32>,
        %parallel_loop3A_163 = tpu.vector_load_idx %arg7[%parallel_loop3A_161] : memref<128xf32, #tpu.memory_space<vmem>>[vector<16xi32>], vector<16xf32>,
        %parallel_loop3A_164 = arith.mulf %parallel_loop3A_162, %parallel_loop3A_151 : vector<16xf32>
        %parallel_loop3A_165 = arith.addf %parallel_loop3A_163, %parallel_loop3A_164 : vector<16xf32>
        %parallel_loop3A_166 = arith.constant 0 : i32
        %parallel_loop3A_167 = arith.index_cast %parallel_loop3A_166 : i32 to index
        %parallel_loop3A_168 = arith.index_cast %parallel_loop3A_147 : i32 to index
        %parallel_loop3A_169 = tpu.vector_load %arg9[%parallel_loop3A_167, %parallel_loop3A_168] {strides = array<i32>} : memref<2x16384xf32, #tpu.memory_space<vmem>>, vector<16xf32>,
        tpu.vector_store %arg9[%parallel_loop3A_167, %parallel_loop3A_168], %parallel_loop3A_165 {strides = array<i32>} : memref<2x16384xf32, #tpu.memory_space<vmem>>, vector<16xf32>,
      } {sc.loop_unroll_factor = 8 : i64, sc.parallel_access}
      %mul3A_88 = arith.constant 16384 : i32
      %mul3A_89 = arith.muli %add3A_71, %mul3A_88 : i32
      %add3A_90 = arith.addi %mul3A_18, %mul3A_89 : i32
      %dma_start3A_91 = arith.constant 0 : i32
      %dma_start3A_92 = arith.constant 0 : i32
      %dma_start3A_93 = tpu.memref_slice %arg9[%dma_start3A_91, %dma_start3A_92] : memref<2x16384xf32, #tpu.memory_space<vmem>> -> memref<1x16384xf32, #tpu.memory_space<vmem>>
      %dma_start3A_94 = tpu.memref_squeeze %dma_start3A_93 : memref<1x16384xf32, #tpu.memory_space<vmem>> -> memref<16384xf32, #tpu.memory_space<vmem>>
      %dma_start3A_95 = tpu.memref_slice %arg5[%add3A_90] : memref<16777216xf32, #tpu.memory_space<hbm>> -> memref<16384xf32, #tpu.memory_space<hbm>>
      %dma_start3A_96 = tpu.memref_slice %arg5[%add3A_90] : memref<16777216xf32, #tpu.memory_space<hbm>> -> memref<16384xf32, #tpu.memory_space<hbm>>
      %dma_start3A_97 = arith.constant 0 : i32
      %dma_start3A_98 = tpu.memref_slice %arg9[%dma_start3A_91, %dma_start3A_97] : memref<2x16384xf32, #tpu.memory_space<vmem>> -> memref<1x16384xf32, #tpu.memory_space<vmem>>
      %dma_start3A_99 = tpu.memref_squeeze %dma_start3A_98 : memref<1x16384xf32, #tpu.memory_space<vmem>> -> memref<16384xf32, #tpu.memory_space<vmem>>
      tpu.enqueue_dma source(%dma_start3A_99 : memref<16384xf32, #tpu.memory_space<vmem>>) target(%dma_start3A_96 : memref<16384xf32, #tpu.memory_space<hbm>>) target_semaphore(%arg12 : memref<!tpu.dma_semaphore, #tpu.memory_space<semaphore_mem>>)
      %add3A_100 = arith.constant 2 : i32
      %add3A_101 = arith.addi %add3A_71, %add3A_100 : i32
      %lt3A = arith.constant 32 : i32
      %lt3A_102 = arith.cmpi slt, %add3A_101, %lt3A : i32
      %convert_element_type3A_103 = arith.extui %lt3A_102 : i1 to i32
      %cond3A_104 = arith.constant 0 : i32
      %cond3A_105 = arith.cmpi ne, %convert_element_type3A_103, %cond3A_104 : i32
      scf.if %cond3A_105 {
        %add3A_147 = arith.constant 2 : i32
        %add3A_148 = arith.addi %add3A_71, %add3A_147 : i32
        %mul3A_149 = arith.constant 16384 : i32
        %mul3A_150 = arith.muli %add3A_148, %mul3A_149 : i32
        %add3A_151 = arith.addi %mul3A_18, %mul3A_150 : i32
        %dma_start3A_152 = arith.constant 0 : i32
        %dma_start3A_153 = arith.constant 0 : i32
        %dma_start3A_154 = tpu.memref_slice %arg8[%dma_start3A_152, %dma_start3A_153] : memref<2x16384xf32, #tpu.memory_space<vmem>> -> memref<1x16384xf32, #tpu.memory_space<vmem>>
        %dma_start3A_155 = tpu.memref_squeeze %dma_start3A_154 : memref<1x16384xf32, #tpu.memory_space<vmem>> -> memref<16384xf32, #tpu.memory_space<vmem>>
        %dma_start3A_156 = tpu.memref_slice %arg2[%add3A_151] : memref<16777216xf32, #tpu.memory_space<hbm>> -> memref<16384xf32, #tpu.memory_space<hbm>>
        %dma_start3A_157 = arith.constant 0 : i32
        %dma_start3A_158 = tpu.memref_slice %arg8[%dma_start3A_152, %dma_start3A_157] : memref<2x16384xf32, #tpu.memory_space<vmem>> -> memref<1x16384xf32, #tpu.memory_space<vmem>>
        %dma_start3A_159 = tpu.memref_squeeze %dma_start3A_158 : memref<1x16384xf32, #tpu.memory_space<vmem>> -> memref<16384xf32, #tpu.memory_space<vmem>>
        %dma_start3A_160 = tpu.memref_slice %arg2[%add3A_151] : memref<16777216xf32, #tpu.memory_space<hbm>> -> memref<16384xf32, #tpu.memory_space<hbm>>
        tpu.enqueue_dma source(%dma_start3A_160 : memref<16384xf32, #tpu.memory_space<hbm>>) target(%dma_start3A_159 : memref<16384xf32, #tpu.memory_space<vmem>>) target_semaphore(%arg10 : memref<!tpu.dma_semaphore, #tpu.memory_space<semaphore_mem>>)
      } else {
      }
      %add3A_106 = arith.constant 1 : i32
      %add3A_107 = arith.addi %add3A_69, %add3A_106 : i32
      %mul3A_108 = arith.constant 16384 : i32
      %mul3A_109 = arith.muli %add3A_107, %mul3A_108 : i32
      %add3A_110 = arith.addi %mul3A_18, %mul3A_109 : i32
      %dma_wait3A_111 = arith.constant 1 : i32
      %dma_wait3A_112 = arith.constant 0 : i32
      %dma_wait3A_113 = tpu.memref_slice %arg8[%dma_wait3A_111, %dma_wait3A_112] : memref<2x16384xf32, #tpu.memory_space<vmem>> -> memref<1x16384xf32, #tpu.memory_space<vmem>>
      %dma_wait3A_114 = tpu.memref_squeeze %dma_wait3A_113 : memref<1x16384xf32, #tpu.memory_space<vmem>> -> memref<16384xf32, #tpu.memory_space<vmem>>
      %dma_wait3A_115 = tpu.memref_slice %arg2[%add3A_110] : memref<16777216xf32, #tpu.memory_space<hbm>> -> memref<16384xf32, #tpu.memory_space<hbm>>
      %dma_wait3A_116 = arith.constant 0 : i32
      %dma_wait3A_117 = tpu.memref_slice %arg8[%dma_wait3A_111, %dma_wait3A_116] : memref<2x16384xf32, #tpu.memory_space<vmem>> -> memref<1x16384xf32, #tpu.memory_space<vmem>>
      %dma_wait3A_118 = tpu.memref_squeeze %dma_wait3A_117 : memref<1x16384xf32, #tpu.memory_space<vmem>> -> memref<16384xf32, #tpu.memory_space<vmem>>
      %dma_wait3A_119 = tpu.memref_slice %arg2[%add3A_110] : memref<16777216xf32, #tpu.memory_space<hbm>> -> memref<16384xf32, #tpu.memory_space<hbm>>
      tpu.wait_dma2 semaphore(%arg11 : memref<!tpu.dma_semaphore, #tpu.memory_space<semaphore_mem>>) src(%dma_wait3A_119 : memref<16384xf32, #tpu.memory_space<hbm>>) dst(%dma_wait3A_118 : memref<16384xf32, #tpu.memory_space<vmem>>)
      %ge3A_120 = arith.constant 2 : i32
      %ge3A_121 = arith.cmpi sge, %add3A_107, %ge3A_120 : i32
      %convert_element_type3A_122 = arith.extui %ge3A_121 : i1 to i32
      %cond3A_123 = arith.constant 0 : i32
      %cond3A_124 = arith.cmpi ne, %convert_element_type3A_122, %cond3A_123 : i32
      scf.if %cond3A_124 {
        %sub3A_147 = arith.constant 2 : i32
        %sub3A_148 = arith.subi %add3A_107, %sub3A_147 : i32
        %mul3A_149 = arith.constant 16384 : i32
        %mul3A_150 = arith.muli %sub3A_148, %mul3A_149 : i32
        %add3A_151 = arith.addi %mul3A_18, %mul3A_150 : i32
        %dma_wait3A_152 = arith.constant 1 : i32
        %dma_wait3A_153 = arith.constant 0 : i32
        %dma_wait3A_154 = tpu.memref_slice %arg9[%dma_wait3A_152, %dma_wait3A_153] : memref<2x16384xf32, #tpu.memory_space<vmem>> -> memref<1x16384xf32, #tpu.memory_space<vmem>>
        %dma_wait3A_155 = tpu.memref_squeeze %dma_wait3A_154 : memref<1x16384xf32, #tpu.memory_space<vmem>> -> memref<16384xf32, #tpu.memory_space<vmem>>
        %dma_wait3A_156 = tpu.memref_slice %arg5[%add3A_151] : memref<16777216xf32, #tpu.memory_space<hbm>> -> memref<16384xf32, #tpu.memory_space<hbm>>
        %dma_wait3A_157 = tpu.memref_slice %arg5[%add3A_151] : memref<16777216xf32, #tpu.memory_space<hbm>> -> memref<16384xf32, #tpu.memory_space<hbm>>
        %dma_wait3A_158 = arith.constant 0 : i32
        %dma_wait3A_159 = tpu.memref_slice %arg9[%dma_wait3A_152, %dma_wait3A_158] : memref<2x16384xf32, #tpu.memory_space<vmem>> -> memref<1x16384xf32, #tpu.memory_space<vmem>>
        %dma_wait3A_160 = tpu.memref_squeeze %dma_wait3A_159 : memref<1x16384xf32, #tpu.memory_space<vmem>> -> memref<16384xf32, #tpu.memory_space<vmem>>
        tpu.wait_dma2 semaphore(%arg13 : memref<!tpu.dma_semaphore, #tpu.memory_space<semaphore_mem>>) src(%dma_wait3A_160 : memref<16384xf32, #tpu.memory_space<vmem>>) dst(%dma_wait3A_157 : memref<16384xf32, #tpu.memory_space<hbm>>)
      } else {
      }
      %parallel_loop3A_125 = arith.constant 0 : i32
      %parallel_loop3A_126 = arith.constant 16384 : i32
      %parallel_loop3A_127 = arith.constant 16 : i32
      scf.for %parallel_loop3A_147 = %parallel_loop3A_125 to %parallel_loop3A_126 step %parallel_loop3A_127  : i32 {
        %parallel_loop3A_148 = arith.constant 1 : i32
        %parallel_loop3A_149 = arith.index_cast %parallel_loop3A_148 : i32 to index
        %parallel_loop3A_150 = arith.index_cast %parallel_loop3A_147 : i32 to index
        %parallel_loop3A_151 = tpu.vector_load %arg8[%parallel_loop3A_149, %parallel_loop3A_150] {strides = array<i32>} : memref<2x16384xf32, #tpu.memory_space<vmem>>, vector<16xf32>,
        %parallel_loop3A_152 = arith.constant 1.900000e+01 : f32
        %parallel_loop3A_153 = vector.broadcast %parallel_loop3A_152 : f32 to vector<16xf32>
        %parallel_loop3A_154 = arith.mulf %parallel_loop3A_151, %parallel_loop3A_153 : vector<16xf32>
        %parallel_loop3A_155 = arith.constant 18.9999981 : f32
        %parallel_loop3A_156 = vector.broadcast %parallel_loop3A_155 : f32 to vector<16xf32>
        %parallel_loop3A_157 = arith.minimumf %parallel_loop3A_154, %parallel_loop3A_156 : vector<16xf32>
        %parallel_loop3A_158 = arith.constant 0.000000e+00 : f32
        %parallel_loop3A_159 = vector.broadcast %parallel_loop3A_158 : f32 to vector<16xf32>
        %parallel_loop3A_160 = arith.maximumf %parallel_loop3A_157, %parallel_loop3A_159 : vector<16xf32>
        %parallel_loop3A_161 = arith.fptosi %parallel_loop3A_160 : vector<16xf32> to vector<16xi32>
        %parallel_loop3A_162 = tpu.vector_load_idx %arg6[%parallel_loop3A_161] : memref<128xf32, #tpu.memory_space<vmem>>[vector<16xi32>], vector<16xf32>,
        %parallel_loop3A_163 = tpu.vector_load_idx %arg7[%parallel_loop3A_161] : memref<128xf32, #tpu.memory_space<vmem>>[vector<16xi32>], vector<16xf32>,
        %parallel_loop3A_164 = arith.mulf %parallel_loop3A_162, %parallel_loop3A_151 : vector<16xf32>
        %parallel_loop3A_165 = arith.addf %parallel_loop3A_163, %parallel_loop3A_164 : vector<16xf32>
        %parallel_loop3A_166 = arith.constant 1 : i32
        %parallel_loop3A_167 = arith.index_cast %parallel_loop3A_166 : i32 to index
        %parallel_loop3A_168 = arith.index_cast %parallel_loop3A_147 : i32 to index
        %parallel_loop3A_169 = tpu.vector_load %arg9[%parallel_loop3A_167, %parallel_loop3A_168] {strides = array<i32>} : memref<2x16384xf32, #tpu.memory_space<vmem>>, vector<16xf32>,
        tpu.vector_store %arg9[%parallel_loop3A_167, %parallel_loop3A_168], %parallel_loop3A_165 {strides = array<i32>} : memref<2x16384xf32, #tpu.memory_space<vmem>>, vector<16xf32>,
      } {sc.loop_unroll_factor = 8 : i64, sc.parallel_access}
      %mul3A_128 = arith.constant 16384 : i32
      %mul3A_129 = arith.muli %add3A_107, %mul3A_128 : i32
      %add3A_130 = arith.addi %mul3A_18, %mul3A_129 : i32
      %dma_start3A_131 = arith.constant 1 : i32
      %dma_start3A_132 = arith.constant 0 : i32
      %dma_start3A_133 = tpu.memref_slice %arg9[%dma_start3A_131, %dma_start3A_132] : memref<2x16384xf32, #tpu.memory_space<vmem>> -> memref<1x16384xf32, #tpu.memory_space<vmem>>
      %dma_start3A_134 = tpu.memref_squeeze %dma_start3A_133 : memref<1x16384xf32, #tpu.memory_space<vmem>> -> memref<16384xf32, #tpu.memory_space<vmem>>
      %dma_start3A_135 = tpu.memref_slice %arg5[%add3A_130] : memref<16777216xf32, #tpu.memory_space<hbm>> -> memref<16384xf32, #tpu.memory_space<hbm>>
      %dma_start3A_136 = tpu.memref_slice %arg5[%add3A_130] : memref<16777216xf32, #tpu.memory_space<hbm>> -> memref<16384xf32, #tpu.memory_space<hbm>>
      %dma_start3A_137 = arith.constant 0 : i32
      %dma_start3A_138 = tpu.memref_slice %arg9[%dma_start3A_131, %dma_start3A_137] : memref<2x16384xf32, #tpu.memory_space<vmem>> -> memref<1x16384xf32, #tpu.memory_space<vmem>>
      %dma_start3A_139 = tpu.memref_squeeze %dma_start3A_138 : memref<1x16384xf32, #tpu.memory_space<vmem>> -> memref<16384xf32, #tpu.memory_space<vmem>>
      tpu.enqueue_dma source(%dma_start3A_139 : memref<16384xf32, #tpu.memory_space<vmem>>) target(%dma_start3A_136 : memref<16384xf32, #tpu.memory_space<hbm>>) target_semaphore(%arg13 : memref<!tpu.dma_semaphore, #tpu.memory_space<semaphore_mem>>)
      %add3A_140 = arith.constant 2 : i32
      %add3A_141 = arith.addi %add3A_107, %add3A_140 : i32
      %lt3A_142 = arith.constant 32 : i32
      %lt3A_143 = arith.cmpi slt, %add3A_141, %lt3A_142 : i32
      %convert_element_type3A_144 = arith.extui %lt3A_143 : i1 to i32
      %cond3A_145 = arith.constant 0 : i32
      %cond3A_146 = arith.cmpi ne, %convert_element_type3A_144, %cond3A_145 : i32
      scf.if %cond3A_146 {
        %add3A_147 = arith.constant 2 : i32
        %add3A_148 = arith.addi %add3A_107, %add3A_147 : i32
        %mul3A_149 = arith.constant 16384 : i32
        %mul3A_150 = arith.muli %add3A_148, %mul3A_149 : i32
        %add3A_151 = arith.addi %mul3A_18, %mul3A_150 : i32
        %dma_start3A_152 = arith.constant 1 : i32
        %dma_start3A_153 = arith.constant 0 : i32
        %dma_start3A_154 = tpu.memref_slice %arg8[%dma_start3A_152, %dma_start3A_153] : memref<2x16384xf32, #tpu.memory_space<vmem>> -> memref<1x16384xf32, #tpu.memory_space<vmem>>
        %dma_start3A_155 = tpu.memref_squeeze %dma_start3A_154 : memref<1x16384xf32, #tpu.memory_space<vmem>> -> memref<16384xf32, #tpu.memory_space<vmem>>
        %dma_start3A_156 = tpu.memref_slice %arg2[%add3A_151] : memref<16777216xf32, #tpu.memory_space<hbm>> -> memref<16384xf32, #tpu.memory_space<hbm>>
        %dma_start3A_157 = arith.constant 0 : i32
        %dma_start3A_158 = tpu.memref_slice %arg8[%dma_start3A_152, %dma_start3A_157] : memref<2x16384xf32, #tpu.memory_space<vmem>> -> memref<1x16384xf32, #tpu.memory_space<vmem>>
        %dma_start3A_159 = tpu.memref_squeeze %dma_start3A_158 : memref<1x16384xf32, #tpu.memory_space<vmem>> -> memref<16384xf32, #tpu.memory_space<vmem>>
        %dma_start3A_160 = tpu.memref_slice %arg2[%add3A_151] : memref<16777216xf32, #tpu.memory_space<hbm>> -> memref<16384xf32, #tpu.memory_space<hbm>>
        tpu.enqueue_dma source(%dma_start3A_160 : memref<16384xf32, #tpu.memory_space<hbm>>) target(%dma_start3A_159 : memref<16384xf32, #tpu.memory_space<vmem>>) target_semaphore(%arg11 : memref<!tpu.dma_semaphore, #tpu.memory_space<semaphore_mem>>)
      } else {
      }
    }
    %scan3A_43 = arith.constant 16 : i32
    %add3A_44 = arith.constant 491520 : i32
    %add3A_45 = arith.addi %mul3A_18, %add3A_44 : i32
    %dma_wait3A = arith.constant 0 : i32
    %dma_wait3A_46 = arith.constant 0 : i32
    %dma_wait3A_47 = tpu.memref_slice %arg9[%dma_wait3A, %dma_wait3A_46] : memref<2x16384xf32, #tpu.memory_space<vmem>> -> memref<1x16384xf32, #tpu.memory_space<vmem>>
    %dma_wait3A_48 = tpu.memref_squeeze %dma_wait3A_47 : memref<1x16384xf32, #tpu.memory_space<vmem>> -> memref<16384xf32, #tpu.memory_space<vmem>>
    %dma_wait3A_49 = tpu.memref_slice %arg5[%add3A_45] : memref<16777216xf32, #tpu.memory_space<hbm>> -> memref<16384xf32, #tpu.memory_space<hbm>>
    %dma_wait3A_50 = tpu.memref_slice %arg5[%add3A_45] : memref<16777216xf32, #tpu.memory_space<hbm>> -> memref<16384xf32, #tpu.memory_space<hbm>>
    %dma_wait3A_51 = arith.constant 0 : i32
    %dma_wait3A_52 = tpu.memref_slice %arg9[%dma_wait3A, %dma_wait3A_51] : memref<2x16384xf32, #tpu.memory_space<vmem>> -> memref<1x16384xf32, #tpu.memory_space<vmem>>
    %dma_wait3A_53 = tpu.memref_squeeze %dma_wait3A_52 : memref<1x16384xf32, #tpu.memory_space<vmem>> -> memref<16384xf32, #tpu.memory_space<vmem>>
    tpu.wait_dma2 semaphore(%arg12 : memref<!tpu.dma_semaphore, #tpu.memory_space<semaphore_mem>>) src(%dma_wait3A_53 : memref<16384xf32, #tpu.memory_space<vmem>>) dst(%dma_wait3A_50 : memref<16384xf32, #tpu.memory_space<hbm>>)
    %add3A_54 = arith.constant 507904 : i32
    %add3A_55 = arith.addi %mul3A_18, %add3A_54 : i32
    %dma_wait3A_56 = arith.constant 1 : i32
    %dma_wait3A_57 = arith.constant 0 : i32
    %dma_wait3A_58 = tpu.memref_slice %arg9[%dma_wait3A_56, %dma_wait3A_57] : memref<2x16384xf32, #tpu.memory_space<vmem>> -> memref<1x16384xf32, #tpu.memory_space<vmem>>
    %dma_wait3A_59 = tpu.memref_squeeze %dma_wait3A_58 : memref<1x16384xf32, #tpu.memory_space<vmem>> -> memref<16384xf32, #tpu.memory_space<vmem>>
    %dma_wait3A_60 = tpu.memref_slice %arg5[%add3A_55] : memref<16777216xf32, #tpu.memory_space<hbm>> -> memref<16384xf32, #tpu.memory_space<hbm>>
    %dma_wait3A_61 = tpu.memref_slice %arg5[%add3A_55] : memref<16777216xf32, #tpu.memory_space<hbm>> -> memref<16384xf32, #tpu.memory_space<hbm>>
    %dma_wait3A_62 = arith.constant 0 : i32
    %dma_wait3A_63 = tpu.memref_slice %arg9[%dma_wait3A_56, %dma_wait3A_62] : memref<2x16384xf32, #tpu.memory_space<vmem>> -> memref<1x16384xf32, #tpu.memory_space<vmem>>
    %dma_wait3A_64 = tpu.memref_squeeze %dma_wait3A_63 : memref<1x16384xf32, #tpu.memory_space<vmem>> -> memref<16384xf32, #tpu.memory_space<vmem>>
    tpu.wait_dma2 semaphore(%arg13 : memref<!tpu.dma_semaphore, #tpu.memory_space<semaphore_mem>>) src(%dma_wait3A_64 : memref<16384xf32, #tpu.memory_space<vmem>>) dst(%dma_wait3A_61 : memref<16384xf32, #tpu.memory_space<hbm>>)
    return
  }
}

module attributes {stable_mosaic.version = 14 : i64} {
  func.func @_table_body(%arg0: memref<8x128xf32, #tpu.memory_space<vmem>>, %arg1: memref<8x128xf32, #tpu.memory_space<vmem>>, %arg2: memref<8x128xf32, #tpu.memory_space<vmem>>, %arg3: memref<8x128xf32, #tpu.memory_space<vmem>>) attributes {dimension_semantics = [], scalar_prefetch = 0 : i64, scratch_operands = 0 : i64, tpu.core_type = #tpu.core_type<tc>} {
    %iota3A = tpu.iota {dimensions = array<i32: 1>} : vector<8x128xi32>
    %convert_element_type3A = arith.sitofp %iota3A : vector<8x128xi32> to vector<8x128xf32>
    %mul3A = arith.constant 0.0526315793 : f32
    %mul3A_0 = vector.broadcast %mul3A : f32 to vector<8x128xf32>
    %mul3A_1 = arith.mulf %convert_element_type3A, %mul3A_0 : vector<8x128xf32>
    %add3A = arith.constant 1.000000e+00 : f32
    %add3A_2 = vector.broadcast %add3A : f32 to vector<8x128xf32>
    %add3A_3 = arith.addf %convert_element_type3A, %add3A_2 : vector<8x128xf32>
    %mul3A_4 = arith.constant 0.0526315793 : f32
    %mul3A_5 = vector.broadcast %mul3A_4 : f32 to vector<8x128xf32>
    %mul3A_6 = arith.mulf %add3A_3, %mul3A_5 : vector<8x128xf32>
    %get3A = arith.constant 0 : index
    %get3A_7 = arith.constant 0 : index
    %get3A_8 = vector.load %arg0[%get3A, %get3A_7] : memref<8x128xf32, #tpu.memory_space<vmem>>, vector<8x128xf32>
    %mul3A_9 = arith.constant 0.699999988 : f32
    %mul3A_10 = vector.broadcast %mul3A_9 : f32 to vector<8x128xf32>
    %mul3A_11 = arith.mulf %get3A_8, %mul3A_10 : vector<8x128xf32>
    %sub3A = arith.constant 1.000000e+00 : f32
    %sub3A_12 = arith.constant 0.699999988 : f32
    %sub3A_13 = arith.subf %sub3A, %sub3A_12 : f32
    %mul3A_14 = vector.broadcast %sub3A_13 : f32 to vector<8x128xf32>
    %mul3A_15 = arith.mulf %mul3A_1, %mul3A_14 : vector<8x128xf32>
    %add3A_16 = arith.addf %mul3A_11, %mul3A_15 : vector<8x128xf32>
    %get3A_17 = arith.constant 0 : index
    %get3A_18 = arith.constant 0 : index
    %get3A_19 = vector.load %arg1[%get3A_17, %get3A_18] : memref<8x128xf32, #tpu.memory_space<vmem>>, vector<8x128xf32>
    %mul3A_20 = arith.constant 0.699999988 : f32
    %mul3A_21 = vector.broadcast %mul3A_20 : f32 to vector<8x128xf32>
    %mul3A_22 = arith.mulf %get3A_19, %mul3A_21 : vector<8x128xf32>
    %sub3A_23 = arith.constant 1.000000e+00 : f32
    %sub3A_24 = arith.constant 0.699999988 : f32
    %sub3A_25 = arith.subf %sub3A_23, %sub3A_24 : f32
    %mul3A_26 = vector.broadcast %sub3A_25 : f32 to vector<8x128xf32>
    %mul3A_27 = arith.mulf %mul3A_6, %mul3A_26 : vector<8x128xf32>
    %add3A_28 = arith.addf %mul3A_22, %mul3A_27 : vector<8x128xf32>
    %lt3A = arith.constant 2.000000e+01 : f32
    %lt3A_29 = vector.broadcast %lt3A : f32 to vector<8x128xf32>
    %lt3A_30 = arith.cmpf olt, %convert_element_type3A, %lt3A_29 : vector<8x128xf32>
    %jit3A = arith.constant 1.000000e+30 : f32
    %broadcast_in_dim3A = vector.broadcast %jit3A : f32 to vector<8x128xf32>
    %select_n3A = arith.select %lt3A_30, %add3A_16, %broadcast_in_dim3A : vector<8x128xi1>, vector<8x128xf32>
    %reduce_min3A = arith.constant dense<0x7F800000> : vector<8xf32>
    %reduce_min3A_31 = vector.multi_reduction <minimumf>, %select_n3A, %reduce_min3A [1] : vector<8x128xf32> to vector<8xf32>
    %broadcast_in_dim3A_32 = vector.shape_cast %reduce_min3A_31 : vector<8xf32> to vector<8x1xf32>
    %neg3A = arith.constant 0.000000e+00 : f32
    %neg3A_33 = arith.constant 1.000000e+30 : f32
    %neg3A_34 = arith.subf %neg3A, %neg3A_33 : f32
    %broadcast_in_dim3A_35 = vector.broadcast %neg3A_34 : f32 to vector<8x128xf32>
    %select_n3A_36 = arith.select %lt3A_30, %add3A_16, %broadcast_in_dim3A_35 : vector<8x128xi1>, vector<8x128xf32>
    %reduce_max3A = arith.constant dense<0xFF800000> : vector<8xf32>
    %reduce_max3A_37 = vector.multi_reduction <maximumf>, %select_n3A_36, %reduce_max3A [1] : vector<8x128xf32> to vector<8xf32>
    %broadcast_in_dim3A_38 = vector.shape_cast %reduce_max3A_37 : vector<8xf32> to vector<8x1xf32>
    %sub3A_39 = arith.subf %broadcast_in_dim3A_38, %broadcast_in_dim3A_32 : vector<8x1xf32>
    %add3A_40 = arith.constant 9.99999974E-6 : f32
    %add3A_41 = vector.broadcast %add3A_40 : f32 to vector<8x1xf32>
    %add3A_42 = arith.addf %sub3A_39, %add3A_41 : vector<8x1xf32>
    %sub3A_43 = vector.broadcast %broadcast_in_dim3A_32 : vector<8x1xf32> to vector<8x128xf32>
    %sub3A_44 = arith.subf %add3A_16, %sub3A_43 : vector<8x128xf32>
    %div3A = vector.broadcast %add3A_42 : vector<8x1xf32> to vector<8x128xf32>
    %div3A_45 = arith.divf %sub3A_44, %div3A : vector<8x128xf32>
    %sub3A_46 = vector.broadcast %broadcast_in_dim3A_32 : vector<8x1xf32> to vector<8x128xf32>
    %sub3A_47 = arith.subf %add3A_28, %sub3A_46 : vector<8x128xf32>
    %div3A_48 = vector.broadcast %add3A_42 : vector<8x1xf32> to vector<8x128xf32>
    %div3A_49 = arith.divf %sub3A_47, %div3A_48 : vector<8x128xf32>
    %sub3A_50 = arith.subf %div3A_49, %div3A_45 : vector<8x128xf32>
    %sub3A_51 = arith.subf %mul3A_6, %mul3A_1 : vector<8x128xf32>
    %div3A_52 = arith.divf %sub3A_50, %sub3A_51 : vector<8x128xf32>
    %swap3A = arith.constant 0 : index
    %swap3A_53 = arith.constant 0 : index
    %swap3A_54 = vector.load %arg2[%swap3A, %swap3A_53] : memref<8x128xf32, #tpu.memory_space<vmem>>, vector<8x128xf32>
    tpu.vector_store %arg2[%swap3A, %swap3A_53], %div3A_52 {strides = array<i32>} : memref<8x128xf32, #tpu.memory_space<vmem>>, vector<8x128xf32>,
    %mul3A_55 = arith.mulf %div3A_52, %mul3A_1 : vector<8x128xf32>
    %sub3A_56 = arith.subf %div3A_45, %mul3A_55 : vector<8x128xf32>
    %swap3A_57 = arith.constant 0 : index
    %swap3A_58 = arith.constant 0 : index
    %swap3A_59 = vector.load %arg3[%swap3A_57, %swap3A_58] : memref<8x128xf32, #tpu.memory_space<vmem>>, vector<8x128xf32>
    tpu.vector_store %arg3[%swap3A_57, %swap3A_58], %sub3A_56 {strides = array<i32>} : memref<8x128xf32, #tpu.memory_space<vmem>>, vector<8x128xf32>,
    return
  }
}

</mosaic_0001>

<sc_bundles>
// kernel: kernel.4.cloned.1.call-start
scs
__scs_entry_jumppad:
0x0: {  	(pc) =	sbr.rel $0x88, $3  }
0x1: {  	(tag) =	ssettag $0x0;
	lr =	simm.s32 $0x1  }
0x2: {  	[smem:$0x3F9F] =	sst lr;
	_ =	strace $0xD0000000  }
0x3: {  	_ = 	snop  }
0x4: {  	_ = 	snop  }
0x5: {  	_ = 	snop  }
0x6: {  	_ = 	snop  }
0x7: {  	_ = 	snop  }
__scs_overlays_trampoline_lowered:
0x8: {  	[smem:$0x3FAE] =	sst s0  }
0x9: {  	[smem:$0x3FAF] =	sst s1  }
0xa: {  	[smem:$0x3FB0] =	sst s2  }
0xb: {  	[smem:$0x3FB1] =	sst s3  }
0xc: {  	[smem:$0x3FB2] =	sst s4  }
0xd: {  	[smem:$0x3FB3] =	sst s5  }
0xe: {  	[smem:$0x3FB4] =	sst s6  }
0xf: {  	[smem:$0x3FB5] =	sst s7  }
0x10: {  	[smem:$0x3FB6] =	sst s8  }
0x11: {  	[smem:$0x3FB7] =	sst s9;
	s0 =	simm.s32 @!p0 $0x0  }
0x12: {  	s1 =	sld [smem:$0x3F9D];
	s0 =	simm.s32 @p0 $0x1  }
0x13: {  	[smem:$0x3FB8] =	sst s0;
	s0 =	simm.s32 @!p1 $0x0  }
0x14: {  	s2 =	sld [smem:$0x3F9C];
	s0 =	simm.s32 @p1 $0x1  }
0x15: {  	[smem:$0x3FB9] =	sst s0;
	s0 =	simm.s32 @!p2 $0x0  }
0x16: {  	s3 =	sld [smem:$0x3FDB];
	s0 =	simm.s32 @p2 $0x1  }
0x17: {  	s4 =	simm.s32 $0x1BF5;
	[smem:$0x3FBB] =	sst s0  }
0x18: {  	s0 =	sld [smem:$0x3F9E];
	_ =	swait.ge [sflag:s4], $0x0  }
0x19: {  	s7 =	sld [smem:$0x3F9F]  }
0x1a: {  	s8 =	sadd.s32 $0xFFFFE003, lr  }
0x1b: {  	s9 =	sadd.s32 $0xFFFFFEF7, lr;
	s5 =	simm.s32 $0xFFFFFFFF;
	p2 =	slt.u32 s8, $0xFFFFF086  }
0x1c: {  	p1 =	slt.u32 s9, $0xF7A;
	s5 =	simm.s32 @!p2 $0x0  }
0x1d: {  	s5 =	simm.s32 @p1 $0x1;
	p0 =	seq.s32 s7, s2  }
0x1e: {  	s7 =	smul.u32 @!p0 $0xF7A, s2;
	p2 =	seq.s32 @!p0 s5, $0x0  }
0x1f: {  	s9 =	smul.u32 $0xF7A, s1;
	s8 =	simm.s32 @!p0 $0x1BF5;
	p2 =	por !p2, p0  }
0x20: {  	[sflag:s8] =	ssyncset.s32 @!p0 $0xFFFFF086;
	s6 =	sadd.s32 @!p0 s3, s7;
	s7 =	simm.s32 @!p0 $0x108  }
0x21: {  	s3 =	sadd.s32 s3, s9;
	s6 =	sadd.s32 @!p0 $0x88, s6;
	s7 =	simm.s32 @p2 $0x1082  }
0x22: {  	[simem:s7], [sflag:s8] =	dma.local @!p0 [hbm:s6], $0xF7A  }
0x23: {  	s9 =	sor.u32 $0xD0000000, s2;
	s6 =	simm.s32 $0x108;
	_ =	swait.ge @!p0 [sflag:s8], $0x0  }
0x24: {  	s3 =	sadd.s32 $0x88, s3;
	s6 =	simm.s32 @!p1 $0x1082;
	[sflag:s4] =	ssyncset.s32 $0xFFFFF086  }
0x25: {  	[simem:s6], [sflag:s4] =	dma.local [hbm:s3], $0xF7A  }
0x26: {  	[smem:$0x3F9F] =	sst s1;
	(tag) =	ssettag s2;
	_ =	strace s9  }
0x27: {  	s1 =	sld [smem:$0x3FAF]  }
0x28: {  	s2 =	sld [smem:$0x3FB0]  }
0x29: {  	s4 =	sld [smem:$0x3FB2]  }
0x2a: {  	p0 =	seq.s32 s5, $0x0;
	s5 =	sld [smem:$0x3FB3]  }
0x2b: {  	s6 =	sld [smem:$0x3FB4]  }
0x2c: {  	s7 =	sld [smem:$0x3FB5]  }
0x2d: {  	s3 =	simm.s32 $0x108;
	s8 =	sld [smem:$0x3FB6]  }
0x2e: {  	s3 =	simm.s32 @!p0 $0x1082;
	s9 =	sld [smem:$0x3FB7]  }
0x2f: {  	lr =	sadd.s32 s0, s3;
	s0 =	sld [smem:$0x3FAE]  }
0x30: {  	s3 =	sld [smem:$0x3FB1]  }
0x31: {  	[smem:$0x3FBA] =	sst s10  }
0x32: {  	s10 =	sld [smem:$0x3FB8];
	_ =	sdelay $0x3  }
0x33: {  	p0 =	seq.s32 s10, $0x1;
	s10 =	sld [smem:$0x3FBA];
	_ =	sdelay $0x3  }
0x34: {  	[smem:$0x3FBA] =	sst s10  }
0x35: {  	s10 =	sld [smem:$0x3FB9];
	_ =	sdelay $0x3  }
0x36: {  	p1 =	seq.s32 s10, $0x1;
	s10 =	sld [smem:$0x3FBA];
	_ =	sdelay $0x3  }
0x37: {  	[smem:$0x3FBA] =	sst s10  }
0x38: {  	s10 =	sld [smem:$0x3FBB]  }
0x39: {  	_ = 	snop;
	(pc) =	sbr.ind lr, $3  }
0x3a: {  	_ = 	snop  }
0x3b: {  	_ = 	snop  }
0x3c: {  	p2 =	seq.s32 s10, $0x1;
	s10 =	sld [smem:$0x3FBA]  }
0x3d: {  	_ =	shalt  }
0x3e: {  	_ =	shalt  }
0x3f: {  	_ =	shalt  }
0x40: {  	_ =	shalt  }
0x41: {  	_ =	shalt  }
0x42: {  	_ =	shalt  }
0x43: {  	_ =	shalt  }
0x44: {  	_ =	shalt  }
0x45: {  	_ =	shalt  }
0x46: {  	_ =	shalt  }
0x47: {  	_ =	shalt  }
0x48: {  	_ =	shalt  }
0x49: {  	_ =	shalt  }
0x4a: {  	_ =	shalt  }
0x4b: {  	_ =	shalt  }
0x4c: {  	_ =	shalt  }
0x4d: {  	_ =	shalt  }
0x4e: {  	_ =	shalt  }
0x4f: {  	_ =	shalt  }
0x50: {  	_ =	shalt  }
0x51: {  	_ =	shalt  }
0x52: {  	_ =	shalt  }
0x53: {  	_ =	shalt  }
0x54: {  	_ =	shalt  }
0x55: {  	_ =	shalt  }
0x56: {  	_ =	shalt  }
0x57: {  	_ =	shalt  }
0x58: {  	_ =	shalt  }
0x59: {  	_ =	shalt  }
0x5a: {  	_ =	shalt  }
0x5b: {  	_ =	shalt  }
0x5c: {  	_ =	shalt  }
0x5d: {  	_ =	shalt  }
0x5e: {  	_ =	shalt  }
0x5f: {  	_ =	shalt  }
0x60: {  	_ =	shalt  }
0x61: {  	_ =	shalt  }
0x62: {  	_ =	shalt  }
0x63: {  	_ =	shalt  }
0x64: {  	_ =	shalt  }
0x65: {  	_ =	shalt  }
0x66: {  	_ =	shalt  }
0x67: {  	_ =	shalt  }
0x68: {  	_ =	shalt  }
0x69: {  	_ =	shalt  }
0x6a: {  	_ =	shalt  }
0x6b: {  	_ =	shalt  }
0x6c: {  	_ =	shalt  }
0x6d: {  	_ =	shalt  }
0x6e: {  	_ =	shalt  }
0x6f: {  	_ =	shalt  }
0x70: {  	_ =	shalt  }
0x71: {  	_ =	shalt  }
0x72: {  	_ =	shalt  }
0x73: {  	_ =	shalt  }
0x74: {  	_ =	shalt  }
0x75: {  	_ =	shalt  }
0x76: {  	_ =	shalt  }
0x77: {  	_ =	shalt  }
0x78: {  	_ =	shalt  }
0x79: {  	_ =	shalt  }
0x7a: {  	_ =	shalt  }
0x7b: {  	_ =	shalt  }
0x7c: {  	_ =	shalt  }
0x7d: {  	_ =	shalt  }
0x7e: {  	_ =	shalt  }
0x7f: {  	_ =	shalt  }
0x80: {  	_ =	shalt  }
0x81: {  	_ =	shalt  }
0x82: {  	_ =	shalt  }
0x83: {  	_ =	shalt  }
0x84: {  	_ =	shalt  }
0x85: {  	_ =	shalt  }
0x86: {  	_ =	shalt  }
0x87: {  	_ =	shalt  }
.Lfunc_end0:
.L_simem_size_0:
called_computation_lowered:
.L_overlay_start_0:
0x88: {  	s2 =	sld [smem:$0x3FD9]  }
0x89: {  	s3 =	sld [smem:$0x3FFE];
	_ =	sdelay $0x1  }
0x8a: {  	s1 =	srdreg.scid  }
0x8b: {  	s0 =	sand.u32 $0x1, s1  }
0x8c: {  	s17 =	sshll.u32 s0, $0xA;
	s2 =	sadd.s32 s3, s2  }
0x8d: {  	s2 =	sadd.s32 s2, s17  }
0x8e: {  	[smem:$0x3FC6] =	sst s2  }
0x8f: {  	_ = 	snop  }
0x90: {  	s2 =	sld [smem:$0x3FC9]  }
0x91: {  	s18 =	sld [smem:$0x3FD0];
	(tm) =	ssettm $0x1  }
0x92: {  	s4 =	sld [smem:$0x3FFB];
	_ =	sdelay $0x3  }
0x93: {  	_ =	strace s4  }
0x94: {  	s4 =	sld [smem:$0x3FFC];
	_ =	sdelay $0x3  }
0x95: {  	_ =	strace s4  }
0x96: {  	s4 =	sld [smem:$0x3FFD];
	_ =	sdelay $0x3  }
0x97: {  	_ =	strace s4  }
0x98: {  	_ =	strace $0x8FFFFFFF  }
0x99: {  	s19 =	sld [smem:$0x3FDB];
	_ =	sdelay $0x1  }
0x9a: {  	s5 =	simm.s32 $_scs_section_size  }
0x9b: {  	s6 =	simm.s32 $_size__tile_overlayer_lowered;
	s7 =	simm.s32 $_tile_overlayer_lowered  }
0x9c: {  	s22 =	simm.s32 $0x1BFF;
	s21 =	sshll.u32 s7, $0x1;
	s4 =	sadd.s32 s5, s19  }
0x9d: {  	s8 =	simm.s32 $0x0;
	s20 =	sshll.u32 s6, $0x1;
	s6 =	sadd.s32 s21, s4  }
0x9e: {  	[timem:s8], [sflag:s22] =	dma.local [hbm:s6], s20  }
0x9f: {  	_ =	swait.ge [sflag:s22], s20  }
0xa0: {  	s5 =	ssub.s32 $0x0, s20;
	[sflag:s22] =	ssyncset.done $0x0  }
0xa1: {  	[sflag:s22] =	ssyncadd.s32 s5;
	_ =	sdelay $0x1  }
0xa2: {  	s23 =	simm.s32 $0x1B8B  }
0xa3: {  	_ =	swait.ge [sflag:s23], $0x1  }
0xa4: {  	[sflag:s23] =	ssyncset.done $0x0  }
0xa5: {  	s25 =	simm.s32 $0x1B8E;
	s24 =	sld [smem:$0x3FFE];
	[sflag:s23] =	ssyncadd.s32 $0xFFFFFFFF  }
0xa6: {  	s26 =	simm.s32 $execute0_lowered;
	[smem:$0x3FD2] =	sst s25  }
0xa7: {  	s6 =	sshll.u32 s26, $0x1;
	_ =	strace $0x80000046;
	[dreg:$0x1] =	wrdreg $0xFFFFFFFF  }
0xa8: {  	s28 =	simm.s32 $_size_execute0_lowered;
	s4 =	sadd.s32 s4, s6;
	[dreg:$0x0] =	wrdreg $0x0  }
0xa9: {  	s6 =	sshll.u32 s28, $0x1;
	[dreg:$0x2] =	wrdreg s4  }
0xaa: {  	[dreg:$0x3] =	wrdreg s6  }
0xab: {  	[dreg:$0x4] =	wrdreg $0xC0  }
0xac: {  	_ =	task [dreg:s8], $0x5FFFF  }
0xad: {  	[dreg:$0x1] =	wrdreg $0xFFFFFFFF  }
0xae: {  	[dreg:$0x0] =	wrdreg $0x60  }
0xaf: {  	[dreg:$0x2] =	wrdreg s2  }
0xb0: {  	[dreg:$0x3] =	wrdreg s24  }
0xb1: {  	[dreg:$0x4] =	wrdreg s18  }
0xb2: {  	[dreg:$0x5] =	wrdreg $0x9  }
0xb3: {  	_ =	task.clear_ibuf [dreg:s8], $0x6FFFF;
	_ =	strace $0x90000046  }
0xb4: {  	s29 =	simm.s32 $0x9;
	_ =	strace $0x80000048  }
0xb5: {  	_ =	swait.ge [sflag:s29], $0x1  }
0xb6: {  	[sflag:s29] =	ssyncadd.s32 $0xFFFFFFFF  }
0xb7: {  	_ =	strace $0x90000048  }
0xb8: {  	_ =	sfence  }
0xb9: {  	s30 =	sld [smem:$0x0];
	_ =	sdelay $0x2  }
0xba: {  	s31 =	sshll.u32 s1, $0xD;
	s1 =	sshrl.u32 s1, $0x2  }
0xbb: {  	s3 =	sand.u32 $0x4000, s31;
	s1 =	sadd.s32 s1, s30  }
0xbc: {  	s0 =	sor.u32 s3, s0;
	s1 =	sshll.u32 s1, $0x11  }
0xbd: {  	s0 =	sor.u32 s1, s0  }
0xbe: {  	s0 =	sadd.s32 $0x8F2B, s0  }
0xbf: {  	[sflag:s0] =	ssyncadd.remote.s32 $0x1  }
0xc0: {  	_ =	sfence.sel $0xFFFF  }
0xc1: {  	[dreg:$0x0] =	wrdreg $0xFFFFFFFF;
	(pc) =	sbr.abs _section_cstart, $3  }
0xc2: {  	[dreg:$0x1] =	wrdreg $0xFFFFFFFF  }
0xc3: {  	_ =	task.clear_ibuf [dreg:s8], $0x2FFFF;
	_ =	strace $0x9FFFFFFF  }
0xc4: {  	(tm) =	ssettm $0x7FFFFFFF  }
0xc5: {  	_ =	shalt  }
tec
execute0_lowered:
.L_overlay_start_1:
0x0: {  	(tag) =	ssettag $0x1  }
0x1: {  	s1 =	rddreg [dreg:$0x0]  }
0x2: {  	s6 =	rddreg [dreg:$0x1]  }
0x3: {  	s2 =	rddreg [dreg:$0x2]  }
0x4: {  	s0 =	rddreg [dreg:$0x3]  }
0x5: {  	s4 =	simm.s32 $0x0;
	s5 =	srdreg.scid;
	s3 =	stileid.u32  }
0x6: {  	s13 =	simm.s32 $0x5;
	s14 =	simm.s32 $0x80;
	s15 =	simm.s32 $0x1  }
0x7: {  	s16 =	simm.s32 $0x2;
	s17 =	simm.s32 $0x4;
	s18 =	simm.s32 $0x3  }
0x8: {  	s19 =	simm.s32 $0x0;
	[smem:$0x7FF] =	sst s4;
	s5 =	sand.u32 $0x1, s5  }
0x9: {  	s8 =	sshll.u32 s3, $0x1;
	s29 =	sshll.u32 s3, $0x3;
	_ =	strace $0x80000047  }
.Ltmp0:
0xa: {  	s7 =	ssub.s32 $0x2, s5;
	s5 =	sor.u32 s5, s8;
	(pc) =	sbr.rel .LBB2_1-.Ltmp0, $4  }
0xb: {  	s30 =	sand.u32 $0x70, s29;
	s9 =	sshrl.u32 s7, $0x1;
	s31 =	sshll.u32 s5, $0x10  }
0xc: {  	s5 =	sshll.u32 s5, $0x13;
	s6 =	sadd.s32 s6, s30;
	s12 =	ssub.s32 s7, s9  }
0xd: {  	s7 =	sadd.s32 s1, s31;
	s8 =	sadd.s32 $0x200, s6;
	s10 =	sor.u32 $0x8000, s5  }
0xe: {  	s11 =	sor.u32 $0xC000, s5;
	s9 =	sadd.s32 $0x800, s7;
	s12 =	smax.u32 s12, $0x1  }
.LBB2_24:
0xf: {  	s19 =	sadd.s32 $0x1, s19  }
0x10: {  	_ =	swait.ge [sflag:s18], $0x4000;
	p0 =	sne.s32 s19, s12  }
.Ltmp1:
0x11: {  	[sflag:s18] =	ssyncset.done $0x0;
	(pc) =	sbr.rel @!p0 .LBB2_25-.Ltmp1, $4  }
0x12: {  	[sflag:s18] =	ssyncadd.s32 $0xFFFFC000  }
0x13: {  	_ =	swait.ge [sflag:s17], $0x4000  }
0x14: {  	[sflag:s17] =	ssyncset.done $0x0  }
0x15: {  	[sflag:s17] =	ssyncadd.s32 $0xFFFFC000  }
.LBB2_1:
0x16: {  	[tilespmem:s4], [sflag:$0x5] =	stream.linear.gather [hbm4b:s8+s4], $0x80, $0x38;
	[tilespmem:$0x10100] =	vst v63  }
0x17: {  	_ =	swait.ge [sflag:s13], $0x80  }
0x18: {  	[sflag:s13] =	ssyncset.done $0x0  }
0x19: {  	[sflag:s13] =	ssyncadd.s32 $0xFFFFFF80  }
0x1a: {  	[tilespmem:s14], [sflag:$0x5] =	stream.linear.gather [hbm4b:s6+s4], $0x80, $0x38;
	[tilespmem:$0x10100] =	vst v63  }
0x1b: {  	_ =	swait.ge [sflag:s13], $0x80  }
0x1c: {  	s20 =	simm.s32 $0x100;
	s21 =	simm.s32 $0x10;
	[sflag:s13] =	ssyncset.done $0x0  }
0x1d: {  	s23 =	sadd.s32 $0x0, s7;
	s22 =	simm.s32 $0x200;
	[sflag:s13] =	ssyncadd.s32 $0xFFFFFF80  }
.LBB2_2:
0x1e: {  	[tilespmem:s20], [sflag:$0x1] =	stream.linear.gather [hbm4b:s23+s4], $0x80, $0x38;
	[tilespmem:$0x10100] =	vst v63  }
0x1f: {  	s23 =	smov.u32 s21;
	s20 =	smov.u32 s22;
	p0 =	sne.s32 s21, $0x7F0  }
.Ltmp2:
0x20: {  	s21 =	sadd.s32 $0x10, s21;
	(pc) =	sbr.rel @p0 .LBB2_2-.Ltmp2, $2  }
0x21: {  	_ =	sdelay $0x2  }
0x22: {  	s22 =	sadd.s32 $0x100, s22;
	s23 =	sadd.s32 s23, s7  }
0x23: {  	[tilespmem:s20], [sflag:$0x1] =	stream.linear.gather [hbm4b:s23+s4], $0x80, $0x38;
	[tilespmem:$0x10100] =	vst v63  }
0x24: {  	s20 =	simm.s32 $0x0;
	s21 =	simm.s32 $0x180  }
0x25: {  	s22 =	simm.s32 $0x10;
	s24 =	sadd.s32 $0x0, s9;
	s23 =	simm.s32 $0x280  }
.LBB2_4:
0x26: {  	[tilespmem:s21], [sflag:$0x2] =	stream.linear.gather [hbm4b:s24+s20], $0x80, $0x38;
	[tilespmem:$0x10100] =	vst v63  }
0x27: {  	s24 =	smov.u32 s22;
	s21 =	smov.u32 s23;
	p0 =	sne.s32 s22, $0x7F0  }
.Ltmp3:
0x28: {  	s22 =	sadd.s32 $0x10, s22;
	(pc) =	sbr.rel @p0 .LBB2_4-.Ltmp3, $2  }
0x29: {  	_ =	sdelay $0x2  }
0x2a: {  	s23 =	sadd.s32 $0x100, s23;
	s24 =	sadd.s32 s24, s9  }
0x2b: {  	[tilespmem:s21], [sflag:$0x2] =	stream.linear.gather [hbm4b:s24+s20], $0x80, $0x38;
	[tilespmem:$0x10100] =	vst v63  }
.LBB2_6:
0x2c: {  	_ =	swait.ge [sflag:s15], $0x4000  }
0x2d: {  	p0 =	seq.s32 s20, $0x0;
	[sflag:s15] =	ssyncset.done $0x0  }
0x2e: {  	s21 =	simm.s32 @!p0 $0x3;
	[sflag:s15] =	ssyncadd.s32 $0xFFFFC000  }
0x2f: {  	_ =	swait.ge @!p0 [sflag:s21], $0x4000  }
0x30: {  	[sflag:s21] =	ssyncset.done @!p0 $0x0  }
0x31: {  	s30 =	simm.s32 $0x140;
	[sflag:s21] =	ssyncadd.s32 @!p0 $0xFFFFC000  }
0x32: {  	v10 =	vld [tilespmem:s30+$0x30]  }
0x33: {  	v28 =	vld [tilespmem:s30+$0xFFFFFFD0]  }
0x34: {  	v29 =	vld [tilespmem:s30+$0xFFFFFFE0]  }
0x35: {  	v6 =	vld [tilespmem:s30+$0xFFFFFFF0]  }
0x36: {  	v7 =	vld [tilespmem:s30+$0x0]  }
0x37: {  	v1 =	vld [tilespmem:s30+$0x10]  }
0x38: {  	v0 =	vld [tilespmem:s30+$0x20]  }
0x39: {  	v23 =	vld [tilespmem:s30+$0xFFFFFFC0]  }
0x3a: {  	v2 =	vmul.f32 $1.900000000e+01, v10  }
0x3b: {  	v3 =	vmul.f32 $1.900000000e+01, v28;
	v4 =	vmul.f32 $1.900000000e+01, v29  }
0x3c: {  	v5 =	vmul.f32 $1.900000000e+01, v6;
	v8 =	vmul.f32 $1.900000000e+01, v7  }
0x3d: {  	v9 =	vmul.f32 $1.900000000e+01, v1;
	v11 =	vmul.f32 $1.900000000e+01, v0  }
0x3e: {  	v12 =	vmul.f32 $1.900000000e+01, v23;
	v2 =	vclamp.gez.f32 v2, $1.899999810e+01  }
0x3f: {  	s31 =	simm.s32 $0x240;
	v3 =	vclamp.gez.f32 v3, $1.899999810e+01;
	v4 =	vclamp.gez.f32 v4, $1.899999810e+01  }
0x40: {  	v13 =	vld [tilespmem:s31+$0x30];
	v5 =	vclamp.gez.f32 v5, $1.899999810e+01;
	v8 =	vclamp.gez.f32 v8, $1.899999810e+01  }
0x41: {  	v9 =	vclamp.gez.f32 v9, $1.899999810e+01;
	v12 =	vclamp.gez.f32 v12, $1.899999810e+01  }
0x42: {  	v2 =	vtrunc.f32 v2;
	v12 =	vtrunc.f32 v12  }
0x43: {  	v3 =	vtrunc.f32 v3;
	v15 =	vtrunc.f32 v4  }
0x44: {  	v16 =	vtrunc.f32 v5;
	v2 =	vcvt.f32.s32 v2  }
0x45: {  	v5 =	vmul.f32 $1.900000000e+01, v13;
	v9 =	vtrunc.f32 v9;
	v4 =	vld [tilespmem:s31+$0xFFFFFFD0]  }
0x46: {  	v12 =	vcvt.f32.s32 v12;
	v21 =	vcvt.f32.s32 v3;
	v3 =	vld [tilespmem:s31+$0xFFFFFFF0]  }
0x47: {  	v31 =	vcvt.f32.s32 v9;
	v9 =	vld [tilespmem:s31+$0x20];
	v5 =	vclamp.gez.f32 v5, $1.899999810e+01  }
0x48: {  	v17 =	vtrunc.f32 v8;
	v8 =	vtrunc.f32 v5;
	v5 =	vld [tilespmem:s31+$0x0]  }
0x49: {  	v26 =	vcvt.f32.s32 v15;
	v22 =	vcvt.f32.s32 v8;
	v8 =	vld [tilespmem:s31+$0x10]  }
0x4a: {  	v27 =	vcvt.f32.s32 v16;
	v14 =	vld.idx.msk [tilespmem:v2+s4+$0x0], $0xffff  }
0x4b: {  	v11 =	vclamp.gez.f32 v11, $1.899999810e+01;
	v20 =	vld.idx.msk [tilespmem:v2+s14+$0x0], $0xffff  }
0x4c: {  	v11 =	vtrunc.f32 v11;
	v30 =	vcvt.f32.s32 v17;
	v2 =	vld [tilespmem:s31+$0xFFFFFFE0]  }
0x4d: {  	v33 =	vcvt.f32.s32 v11;
	v11 =	vmul.f32 $1.900000000e+01, v4;
	v32 =	vld.idx.msk [tilespmem:v12+s4+$0x0], $0xffff  }
0x4e: {  	v16 =	vmul.f32 $1.900000000e+01, v3;
	v36 =	vmul.f32 $1.900000000e+01, v9;
	v34 =	vld.idx.msk [tilespmem:v21+s4+$0x0], $0xffff  }
0x4f: {  	v11 =	vclamp.gez.f32 v11, $1.899999810e+01;
	v35 =	vld.idx.msk [tilespmem:v26+s4+$0x0], $0xffff;
	v18 =	vmul.f32 $1.900000000e+01, v5  }
0x50: {  	v17 =	vld.idx.msk [tilespmem:v27+s4+$0x0], $0xffff;
	v38 =	vclamp.gez.f32 v16, $1.899999810e+01;
	v36 =	vclamp.gez.f32 v36, $1.899999810e+01  }
0x51: {  	v11 =	vtrunc.f32 v11;
	v14 =	vmul.f32 v14, v10;
	v10 =	vld [tilespmem:s31+$0xFFFFFFC0]  }
0x52: {  	v19 =	vld.idx.msk [tilespmem:v30+s4+$0x0], $0xffff;
	v24 =	vmul.f32 $1.900000000e+01, v8;
	v38 =	vtrunc.f32 v38  }
0x53: {  	v27 =	vld.idx.msk [tilespmem:v27+s14+$0x0], $0xffff;
	v36 =	vtrunc.f32 v36;
	v39 =	vclamp.gez.f32 v18, $1.899999810e+01  }
0x54: {  	v25 =	vld.idx.msk [tilespmem:v22+s4+$0x0], $0xffff;
	v40 =	vclamp.gez.f32 v24, $1.899999810e+01;
	v39 =	vtrunc.f32 v39  }
0x55: {  	v16 =	vld.idx.msk [tilespmem:v31+s4+$0x0], $0xffff;
	v15 =	vmul.f32 $1.900000000e+01, v2;
	v40 =	vtrunc.f32 v40  }
0x56: {  	v18 =	vld.idx.msk [tilespmem:v33+s4+$0x0], $0xffff;
	v32 =	vmul.f32 v32, v23;
	v37 =	vmul.f32 $1.900000000e+01, v10  }
0x57: {  	v23 =	vld.idx.msk [tilespmem:v31+s14+$0x0], $0xffff;
	v31 =	vmul.f32 v34, v28;
	v29 =	vmul.f32 v35, v29  }
0x58: {  	v42 =	vld.idx.msk [tilespmem:v22+s14+$0x0], $0xffff;
	v15 =	vclamp.gez.f32 v15, $1.899999810e+01;
	v24 =	vclamp.gez.f32 v37, $1.899999810e+01  }
0x59: {  	v20 =	vadd.f32 v14, v20;
	v63 =	vmul.f32 v25, v13;
	v13 =	vtrunc.f32 v24;
	v24 =	vld.idx.msk [tilespmem:v12+s14+$0x0], $0xffff  }
0x5a: {  	s24 =	simm.s32 $0x8140;
	v14 =	vcvt.f32.s32 v39;
	v41 =	vtrunc.f32 v15;
	v25 =	vld.idx.msk [tilespmem:v21+s14+$0x0], $0xffff  }
0x5b: {  	v22 =	vld.idx.msk [tilespmem:v26+s14+$0x0], $0xffff;
	v21 =	vcvt.f32.s32 v40;
	[tilespmem:s24+$0x30] =	vst v20;
	v20 =	vcvt.f32.s32 v36  }
0x5c: {  	s25 =	simm.s32 $0x80;
	s21 =	sshll.u32 s20, $0xF;
	v26 =	vld.idx.msk [tilespmem:v30+s14+$0x0], $0xffff;
	v12 =	vcvt.f32.s32 v41;
	v15 =	vcvt.f32.s32 v13  }
0x5d: {  	s26 =	simm.s32 $0x340;
	s23 =	simm.s32 $0x8140;
	s22 =	sor.u32 s5, s21;
	v28 =	vld.idx.msk [tilespmem:v33+s14+$0x0], $0xffff;
	v30 =	vadd.f32 v63, v42;
	v13 =	vcvt.f32.s32 v11;
	v11 =	vcvt.f32.s32 v38  }
.LBB2_7:
0x5e: {  	v33 =	vld [tilespmem:s26+$0x30];
	s25 =	sadd.s32 $0x80, s25;
	v24 =	vadd.f32 v32, v24;
	v32 =	vmul.f32 v17, v6;
	v35 =	vmul.f32 v19, v7;
	s24 =	sadd.s32 $0x100, s24;
	v34 =	vmovc v4  }
0x5f: {  	v16 =	vmul.f32 v16, v1;
	v18 =	vmul.f32 v18, v0;
	v4 =	vld [tilespmem:s26+$0xFFFFFFD0];
	p1 =	slt.u32 s25, $0x3F80;
	[tilespmem:s24+$0x30] =	vst v30;
	v17 =	vadd.f32 v31, v25  }
0x60: {  	v6 =	vmovc v3;
	v19 =	vadd.f32 v29, v22;
	v29 =	vmov v2;
	[tilespmem:s23+$0xFFFFFFC0] =	vst v24;
	v22 =	vadd.f32 v32, v27;
	v2 =	vld [tilespmem:s26+$0xFFFFFFE0]  }
0x61: {  	v7 =	vmovc v5;
	v1 =	vmovc v8;
	v0 =	vmov v9;
	v30 =	vmov v21;
	v3 =	vld [tilespmem:s26+$0xFFFFFFF0];
	[tilespmem:s23+$0xFFFFFFD0] =	vst v17;
	v17 =	vadd.f32 v35, v26  }
0x62: {  	v16 =	vadd.f32 v16, v23;
	v5 =	vld [tilespmem:s26+$0x0];
	[tilespmem:s23+$0xFFFFFFE0] =	vst v19;
	v35 =	vmov v20  }
0x63: {  	v18 =	vadd.f32 v18, v28;
	v8 =	vld [tilespmem:s26+$0x10];
	v19 =	vmul.f32 $1.900000000e+01, v33;
	[tilespmem:s23+$0xFFFFFFF0] =	vst v22  }
0x64: {  	v20 =	vmul.f32 $1.900000000e+01, v4;
	v9 =	vld [tilespmem:s26+$0x20];
	[tilespmem:s23+$0x0] =	vst v17  }
0x65: {  	v28 =	vld [tilespmem:s26+$0xFFFFFFC0];
	v17 =	vmul.f32 $1.900000000e+01, v2;
	v19 =	vclamp.gez.f32 v19, $1.899999810e+01;
	[tilespmem:s23+$0x10] =	vst v16  }
0x66: {  	v16 =	vmul.f32 $1.900000000e+01, v3;
	v19 =	vtrunc.f32 v19;
	v23 =	vld.idx.msk [tilespmem:v15+s4+$0x0], $0xffff;
	[tilespmem:s23+$0x20] =	vst v18;
	s23 =	smov.u32 s24  }
0x67: {  	v18 =	vmul.f32 $1.900000000e+01, v5;
	v21 =	vcvt.f32.s32 v19;
	v31 =	vld.idx.msk [tilespmem:v13+s4+$0x0], $0xffff  }
0x68: {  	v20 =	vclamp.gez.f32 v20, $1.899999810e+01;
	v22 =	vmul.f32 $1.900000000e+01, v8;
	v36 =	vld.idx.msk [tilespmem:v12+s4+$0x0], $0xffff  }
0x69: {  	v24 =	vclamp.gez.f32 v17, $1.899999810e+01;
	v25 =	vmul.f32 $1.900000000e+01, v9;
	v17 =	vld.idx.msk [tilespmem:v11+s4+$0x0], $0xffff  }
0x6a: {  	v27 =	vclamp.gez.f32 v16, $1.899999810e+01;
	v26 =	vmul.f32 $1.900000000e+01, v28;
	v19 =	vld.idx.msk [tilespmem:v14+s4+$0x0], $0xffff  }
0x6b: {  	v32 =	vclamp.gez.f32 v18, $1.899999810e+01;
	v22 =	vclamp.gez.f32 v22, $1.899999810e+01;
	v16 =	vld.idx.msk [tilespmem:v30+s4+$0x0], $0xffff  }
0x6c: {  	v25 =	vclamp.gez.f32 v25, $1.899999810e+01;
	v26 =	vclamp.gez.f32 v26, $1.899999810e+01;
	v18 =	vld.idx.msk [tilespmem:v35+s4+$0x0], $0xffff  }
0x6d: {  	v20 =	vtrunc.f32 v20;
	v26 =	vtrunc.f32 v26;
	v37 =	vld.idx.msk [tilespmem:v21+s4+$0x0], $0xffff  }
0x6e: {  	v38 =	vtrunc.f32 v24;
	v39 =	vtrunc.f32 v27;
	v24 =	vld.idx.msk [tilespmem:v15+s14+$0x0], $0xffff  }
0x6f: {  	v27 =	vtrunc.f32 v32;
	v32 =	vtrunc.f32 v22;
	v40 =	vld.idx.msk [tilespmem:v21+s14+$0x0], $0xffff  }
0x70: {  	v41 =	vtrunc.f32 v25;
	v15 =	vcvt.f32.s32 v26;
	v25 =	vld.idx.msk [tilespmem:v13+s14+$0x0], $0xffff  }
.Ltmp4:
0x71: {  	v13 =	vcvt.f32.s32 v20;
	v22 =	vld.idx.msk [tilespmem:v12+s14+$0x0], $0xffff;
	v12 =	vcvt.f32.s32 v38;
	(pc) =	sbr.rel @p1 .LBB2_7-.Ltmp4, $4  }
0x72: {  	v38 =	vcvt.f32.s32 v27;
	v27 =	vld.idx.msk [tilespmem:v11+s14+$0x0], $0xffff;
	v11 =	vcvt.f32.s32 v39  }
0x73: {  	v21 =	vcvt.f32.s32 v32;
	v33 =	vmul.f32 v37, v33;
	v26 =	vld.idx.msk [tilespmem:v14+s14+$0x0], $0xffff  }
0x74: {  	v32 =	vmul.f32 v23, v10;
	v10 =	vmovc v28;
	v20 =	vcvt.f32.s32 v41;
	v14 =	vmov v38;
	v23 =	vld.idx.msk [tilespmem:v30+s14+$0x0], $0xffff  }
0x75: {  	s26 =	sadd.s32 $0x100, s26;
	v31 =	vmul.f32 v31, v34;
	v29 =	vmul.f32 v36, v29;
	v30 =	vadd.f32 v33, v40;
	v28 =	vld.idx.msk [tilespmem:v35+s14+$0x0], $0xffff  }
0x76: {  	_ =	sdelay $0x3  }
0x77: {  	v33 =	vld.idx.msk [tilespmem:v15+s4+$0x0], $0xffff  }
0x78: {  	v34 =	vld.idx.msk [tilespmem:v13+s4+$0x0], $0xffff  }
0x79: {  	v35 =	vld.idx.msk [tilespmem:v12+s4+$0x0], $0xffff  }
0x7a: {  	v36 =	vld.idx.msk [tilespmem:v11+s4+$0x0], $0xffff  }
0x7b: {  	v37 =	vld.idx.msk [tilespmem:v14+s4+$0x0], $0xffff  }
0x7c: {  	v24 =	vadd.f32 v32, v24;
	s25 =	sadd.s32 $0x100, s24;
	v52 =	vld.idx.msk [tilespmem:v21+s4+$0x0], $0xffff  }
0x7d: {  	v6 =	vmul.f32 v17, v6;
	v54 =	vld.idx.msk [tilespmem:v20+s4+$0x0], $0xffff;
	[tilespmem:s25+$0x30] =	vst v30;
	v53 =	vadd.f32 v31, v25  }
0x7e: {  	v7 =	vmul.f32 v19, v7;
	v56 =	vld.idx.msk [tilespmem:v15+s14+$0x0], $0xffff;
	v55 =	vadd.f32 v29, v22;
	[tilespmem:s23+$0xFFFFFFC0] =	vst v24  }
0x7f: {  	v1 =	vmul.f32 v16, v1;
	v57 =	vld.idx.msk [tilespmem:v13+s14+$0x0], $0xffff;
	v6 =	vadd.f32 v6, v27;
	[tilespmem:s23+$0xFFFFFFD0] =	vst v53  }
0x80: {  	v0 =	vmul.f32 v18, v0;
	v58 =	vld.idx.msk [tilespmem:v12+s14+$0x0], $0xffff;
	v7 =	vadd.f32 v7, v26;
	[tilespmem:s23+$0xFFFFFFE0] =	vst v55  }
0x81: {  	v59 =	vld.idx.msk [tilespmem:v11+s14+$0x0], $0xffff;
	v1 =	vadd.f32 v1, v23;
	[tilespmem:s23+$0xFFFFFFF0] =	vst v6;
	v10 =	vmul.f32 v33, v10  }
0x82: {  	v60 =	vld.idx.msk [tilespmem:v14+s14+$0x0], $0xffff;
	v0 =	vadd.f32 v0, v28;
	[tilespmem:s23+$0x0] =	vst v7;
	v4 =	vmul.f32 v34, v4  }
0x83: {  	v61 =	vld.idx.msk [tilespmem:v21+s14+$0x0], $0xffff;
	[tilespmem:s23+$0x10] =	vst v1;
	v2 =	vmul.f32 v35, v2;
	v10 =	vadd.f32 v10, v56  }
0x84: {  	v62 =	vld.idx.msk [tilespmem:v20+s14+$0x0], $0xffff;
	v3 =	vmul.f32 v36, v3;
	[tilespmem:s23+$0x20] =	vst v0;
	v4 =	vadd.f32 v4, v57  }
0x85: {  	v5 =	vmul.f32 v37, v5;
	v2 =	vadd.f32 v2, v58;
	[tilespmem:s25+$0xFFFFFFC0] =	vst v10  }
0x86: {  	v8 =	vmul.f32 v52, v8;
	v3 =	vadd.f32 v3, v59;
	[tilespmem:s25+$0xFFFFFFD0] =	vst v4  }
0x87: {  	v63 =	vmul.f32 v54, v9;
	v5 =	vadd.f32 v5, v60;
	[tilespmem:s25+$0xFFFFFFE0] =	vst v2  }
0x88: {  	v1 =	vadd.f32 v8, v61;
	[tilespmem:s25+$0xFFFFFFF0] =	vst v3  }
0x89: {  	s22 =	sshrl.u32 s22, $0x3;
	v0 =	vadd.f32 v63, v62;
	[tilespmem:s25+$0x0] =	vst v5  }
0x8a: {  	s24 =	simm.s32 $0x8100;
	s23 =	sadd.s32 s2, s22;
	[tilespmem:s25+$0x10] =	vst v1  }
0x8b: {  	s26 =	simm.s32 $0x8200;
	s28 =	sadd.s32 $0x0, s23;
	[tilespmem:s25+$0x20] =	vst v0;
	s25 =	simm.s32 $0x10  }
.LBB2_9:
0x8c: {  	[hbm4b:s28+s4] =	stream.linear.scatter [tilespmem:s24], [sflag:$0x3], $0x80, $0x38;
	[tilespmem:$0x10100] =	vst v63  }
0x8d: {  	s28 =	smov.u32 s25;
	s24 =	smov.u32 s26;
	p1 =	sne.s32 s25, $0x7F0  }
.Ltmp5:
0x8e: {  	s25 =	sadd.s32 $0x10, s25;
	(pc) =	sbr.rel @p1 .LBB2_9-.Ltmp5, $2  }
0x8f: {  	_ =	sdelay $0x2  }
0x90: {  	s26 =	sadd.s32 $0x100, s26;
	s28 =	sadd.s32 s28, s23  }
0x91: {  	p1 =	sne.s32 s20, $0xF  }
.Ltmp6:
0x92: {  	_ = 	snop;
	(pc) =	sbr.rel @p1 .LBB2_12-.Ltmp6, $2  }
0x93: {  	_ =	sdelay $0x2  }
0x94: {  	[hbm4b:s28+s4] =	stream.linear.scatter [tilespmem:s24], [sflag:$0x3], $0x80, $0x38;
	[tilespmem:$0x10100] =	vst v63  }
.Ltmp7:
0x95: {  	(pc) =	sbr.rel .LBB2_15-.Ltmp7, $4  }
0x96: {  	_ = 	snop  }
0x97: {  	_ =	swait.ge [sflag:s16], $0x4000  }
0x98: {  	[sflag:s16] =	ssyncset.done $0x0  }
0x99: {  	[sflag:s16] =	ssyncadd.s32 $0xFFFFC000  }
.LBB2_12:
0x9a: {  	s23 =	sadd.s32 s21, s10  }
0x9b: {  	s23 =	sshrl.u32 s23, $0x3  }
0x9c: {  	s24 =	simm.s32 $0x100;
	s23 =	sadd.s32 s1, s23  }
0x9d: {  	s25 =	simm.s32 $0x10;
	s26 =	simm.s32 $0x200;
	s28 =	sadd.s32 $0x0, s23  }
.LBB2_13:
0x9e: {  	[tilespmem:s24], [sflag:$0x1] =	stream.linear.gather [hbm4b:s28+s4], $0x80, $0x38;
	[tilespmem:$0x10100] =	vst v63  }
0x9f: {  	s28 =	smov.u32 s25;
	s24 =	smov.u32 s26;
	p1 =	sne.s32 s25, $0x7F0  }
.Ltmp8:
0xa0: {  	s25 =	sadd.s32 $0x10, s25;
	(pc) =	sbr.rel @p1 .LBB2_13-.Ltmp8, $2  }
0xa1: {  	_ =	sdelay $0x2  }
0xa2: {  	s26 =	sadd.s32 $0x100, s26;
	s28 =	sadd.s32 s28, s23  }
.Ltmp9:
0xa3: {  	(pc) =	sbr.rel @p0 .LBB2_16-.Ltmp9, $4  }
0xa4: {  	[tilespmem:s24], [sflag:$0x1] =	stream.linear.gather [hbm4b:s28+s4], $0x80, $0x38;
	[tilespmem:$0x10100] =	vst v63  }
0xa5: {  	_ =	swait.ge [sflag:s16], $0x4000  }
0xa6: {  	[sflag:s16] =	ssyncset.done $0x0  }
0xa7: {  	[sflag:s16] =	ssyncadd.s32 $0xFFFFC000  }
.LBB2_15:
0xa8: {  	_ =	swait.ge [sflag:s17], $0x4000  }
0xa9: {  	[sflag:s17] =	ssyncset.done $0x0  }
0xaa: {  	[sflag:s17] =	ssyncadd.s32 $0xFFFFC000  }
.LBB2_16:
0xab: {  	s23 =	simm.s32 $0x1F0  }
0xac: {  	v10 =	vld [tilespmem:s23+$0x0]  }
0xad: {  	v27 =	vld [tilespmem:s23+$0xFFFFFFA0]  }
0xae: {  	v29 =	vld [tilespmem:s23+$0xFFFFFFB0]  }
0xaf: {  	v6 =	vld [tilespmem:s23+$0xFFFFFFC0]  }
0xb0: {  	v7 =	vld [tilespmem:s23+$0xFFFFFFD0]  }
0xb1: {  	v1 =	vld [tilespmem:s23+$0xFFFFFFE0]  }
0xb2: {  	v0 =	vld [tilespmem:s23+$0xFFFFFFF0]  }
0xb3: {  	v22 =	vld [tilespmem:s23+$0xFFFFFF90]  }
0xb4: {  	v2 =	vmul.f32 $1.900000000e+01, v10  }
0xb5: {  	v3 =	vmul.f32 $1.900000000e+01, v27;
	v4 =	vmul.f32 $1.900000000e+01, v29  }
0xb6: {  	v5 =	vmul.f32 $1.900000000e+01, v6;
	v8 =	vmul.f32 $1.900000000e+01, v7  }
0xb7: {  	v9 =	vmul.f32 $1.900000000e+01, v1;
	v11 =	vmul.f32 $1.900000000e+01, v0  }
0xb8: {  	v12 =	vmul.f32 $1.900000000e+01, v22;
	v2 =	vclamp.gez.f32 v2, $1.899999810e+01  }
0xb9: {  	s31 =	simm.s32 $0x2F0;
	v3 =	vclamp.gez.f32 v3, $1.899999810e+01;
	v4 =	vclamp.gez.f32 v4, $1.899999810e+01  }
0xba: {  	v13 =	vld [tilespmem:s31+$0x0];
	v5 =	vclamp.gez.f32 v5, $1.899999810e+01;
	v8 =	vclamp.gez.f32 v8, $1.899999810e+01  }
0xbb: {  	v9 =	vclamp.gez.f32 v9, $1.899999810e+01;
	v12 =	vclamp.gez.f32 v12, $1.899999810e+01  }
0xbc: {  	v2 =	vtrunc.f32 v2;
	v12 =	vtrunc.f32 v12  }
0xbd: {  	v3 =	vtrunc.f32 v3;
	v15 =	vtrunc.f32 v4  }
0xbe: {  	v16 =	vtrunc.f32 v5;
	v2 =	vcvt.f32.s32 v2  }
0xbf: {  	v5 =	vmul.f32 $1.900000000e+01, v13;
	v9 =	vtrunc.f32 v9;
	v4 =	vld [tilespmem:s31+$0xFFFFFFA0]  }
0xc0: {  	v12 =	vcvt.f32.s32 v12;
	v21 =	vcvt.f32.s32 v3;
	v3 =	vld [tilespmem:s31+$0xFFFFFFC0]  }
0xc1: {  	v31 =	vcvt.f32.s32 v9;
	v9 =	vld [tilespmem:s31+$0xFFFFFFF0];
	v5 =	vclamp.gez.f32 v5, $1.899999810e+01  }
0xc2: {  	v17 =	vtrunc.f32 v8;
	v8 =	vtrunc.f32 v5;
	v5 =	vld [tilespmem:s31+$0xFFFFFFD0]  }
0xc3: {  	v24 =	vcvt.f32.s32 v15;
	v23 =	vcvt.f32.s32 v8;
	v8 =	vld [tilespmem:s31+$0xFFFFFFE0]  }
0xc4: {  	v28 =	vcvt.f32.s32 v16;
	v14 =	vld.idx.msk [tilespmem:v2+s4+$0x0], $0xffff  }
0xc5: {  	v11 =	vclamp.gez.f32 v11, $1.899999810e+01;
	v30 =	vcvt.f32.s32 v17;
	v20 =	vld.idx.msk [tilespmem:v2+s14+$0x0], $0xffff  }
0xc6: {  	v11 =	vtrunc.f32 v11;
	v2 =	vld [tilespmem:s31+$0xFFFFFFB0]  }
0xc7: {  	v33 =	vcvt.f32.s32 v11;
	v11 =	vmul.f32 $1.900000000e+01, v4;
	v34 =	vld.idx.msk [tilespmem:v12+s4+$0x0], $0xffff  }
0xc8: {  	v15 =	vmul.f32 $1.900000000e+01, v3;
	v26 =	vmul.f32 $1.900000000e+01, v9;
	v35 =	vld.idx.msk [tilespmem:v21+s4+$0x0], $0xffff  }
0xc9: {  	v11 =	vclamp.gez.f32 v11, $1.899999810e+01;
	v36 =	vld.idx.msk [tilespmem:v24+s4+$0x0], $0xffff;
	v16 =	vmul.f32 $1.900000000e+01, v5  }
0xca: {  	v17 =	vld.idx.msk [tilespmem:v28+s4+$0x0], $0xffff;
	v15 =	vclamp.gez.f32 v15, $1.899999810e+01;
	v40 =	vclamp.gez.f32 v26, $1.899999810e+01  }
0xcb: {  	v19 =	vld.idx.msk [tilespmem:v30+s4+$0x0], $0xffff;
	v11 =	vtrunc.f32 v11;
	v18 =	vmul.f32 $1.900000000e+01, v8  }
0xcc: {  	v28 =	vld.idx.msk [tilespmem:v28+s14+$0x0], $0xffff;
	v42 =	vtrunc.f32 v15;
	v40 =	vtrunc.f32 v40  }
0xcd: {  	v25 =	vld.idx.msk [tilespmem:v23+s4+$0x0], $0xffff;
	v38 =	vclamp.gez.f32 v16, $1.899999810e+01;
	v39 =	vclamp.gez.f32 v18, $1.899999810e+01  }
0xce: {  	v38 =	vtrunc.f32 v38;
	v32 =	vmul.f32 v14, v10;
	v10 =	vld [tilespmem:s31+$0xFFFFFF90]  }
0xcf: {  	v26 =	vld.idx.msk [tilespmem:v21+s14+$0x0], $0xffff;
	v14 =	vmul.f32 $1.900000000e+01, v2;
	v39 =	vtrunc.f32 v39  }
0xd0: {  	v16 =	vld.idx.msk [tilespmem:v31+s4+$0x0], $0xffff;
	v29 =	vmul.f32 v36, v29;
	v21 =	vcvt.f32.s32 v39  }
0xd1: {  	v43 =	vld.idx.msk [tilespmem:v23+s14+$0x0], $0xffff;
	v14 =	vclamp.gez.f32 v14, $1.899999810e+01;
	v20 =	vadd.f32 v32, v20;
	v32 =	vmul.f32 v34, v22  }
0xd2: {  	v22 =	vld.idx.msk [tilespmem:v31+s14+$0x0], $0xffff;
	v31 =	vmul.f32 v35, v27;
	v41 =	vmul.f32 v25, v13  }
0xd3: {  	v63 =	vtrunc.f32 v14;
	v25 =	vld.idx.msk [tilespmem:v12+s14+$0x0], $0xffff;
	v37 =	vmul.f32 $1.900000000e+01, v10  }
0xd4: {  	v18 =	vld.idx.msk [tilespmem:v33+s4+$0x0], $0xffff;
	v14 =	vcvt.f32.s32 v11;
	v11 =	vcvt.f32.s32 v42  }
0xd5: {  	s24 =	simm.s32 $0x81F0;
	v23 =	vld.idx.msk [tilespmem:v24+s14+$0x0], $0xffff;
	v12 =	vcvt.f32.s32 v63;
	v37 =	vclamp.gez.f32 v37, $1.899999810e+01  }
0xd6: {  	v24 =	vld.idx.msk [tilespmem:v30+s14+$0x0], $0xffff;
	[tilespmem:s24+$0x0] =	vst v20;
	v20 =	vcvt.f32.s32 v40;
	v13 =	vtrunc.f32 v37  }
0xd7: {  	s25 =	simm.s32 $0x80;
	s26 =	simm.s32 $0x3F0;
	s23 =	simm.s32 $0x81F0;
	v27 =	vld.idx.msk [tilespmem:v33+s14+$0x0], $0xffff;
	v30 =	vadd.f32 v41, v43;
	v15 =	vcvt.f32.s32 v13;
	v13 =	vcvt.f32.s32 v38  }
.LBB2_17:
0xd8: {  	v33 =	vld [tilespmem:s26+$0x0];
	s25 =	sadd.s32 $0x80, s25;
	v25 =	vadd.f32 v32, v25;
	v32 =	vmul.f32 v17, v6;
	v35 =	vmul.f32 v19, v7;
	s24 =	sadd.s32 $0x100, s24;
	v34 =	vmovc v4  }
0xd9: {  	v16 =	vmul.f32 v16, v1;
	v18 =	vmul.f32 v18, v0;
	v4 =	vld [tilespmem:s26+$0xFFFFFFA0];
	p0 =	slt.u32 s25, $0x3F80;
	[tilespmem:s24+$0x0] =	vst v30;
	v17 =	vadd.f32 v31, v26  }
0xda: {  	v6 =	vmovc v3;
	v19 =	vadd.f32 v29, v23;
	v29 =	vmov v2;
	[tilespmem:s23+$0xFFFFFF90] =	vst v25;
	v23 =	vadd.f32 v32, v28;
	v2 =	vld [tilespmem:s26+$0xFFFFFFB0]  }
0xdb: {  	v7 =	vmovc v5;
	v1 =	vmovc v8;
	v0 =	vmov v9;
	v30 =	vmov v21;
	v3 =	vld [tilespmem:s26+$0xFFFFFFC0];
	[tilespmem:s23+$0xFFFFFFA0] =	vst v17;
	v17 =	vadd.f32 v35, v24  }
0xdc: {  	v16 =	vadd.f32 v16, v22;
	v5 =	vld [tilespmem:s26+$0xFFFFFFD0];
	[tilespmem:s23+$0xFFFFFFB0] =	vst v19;
	v35 =	vmov v20  }
0xdd: {  	v18 =	vadd.f32 v18, v27;
	v8 =	vld [tilespmem:s26+$0xFFFFFFE0];
	v19 =	vmul.f32 $1.900000000e+01, v33;
	[tilespmem:s23+$0xFFFFFFC0] =	vst v23  }
0xde: {  	v20 =	vmul.f32 $1.900000000e+01, v4;
	v9 =	vld [tilespmem:s26+$0xFFFFFFF0];
	[tilespmem:s23+$0xFFFFFFD0] =	vst v17  }
0xdf: {  	v27 =	vld [tilespmem:s26+$0xFFFFFF90];
	v17 =	vmul.f32 $1.900000000e+01, v2;
	v19 =	vclamp.gez.f32 v19, $1.899999810e+01;
	[tilespmem:s23+$0xFFFFFFE0] =	vst v16  }
0xe0: {  	v16 =	vmul.f32 $1.900000000e+01, v3;
	v19 =	vtrunc.f32 v19;
	v22 =	vld.idx.msk [tilespmem:v15+s4+$0x0], $0xffff;
	[tilespmem:s23+$0xFFFFFFF0] =	vst v18;
	s23 =	smov.u32 s24  }
0xe1: {  	v18 =	vmul.f32 $1.900000000e+01, v5;
	v21 =	vcvt.f32.s32 v19;
	v31 =	vld.idx.msk [tilespmem:v14+s4+$0x0], $0xffff  }
0xe2: {  	v20 =	vclamp.gez.f32 v20, $1.899999810e+01;
	v23 =	vmul.f32 $1.900000000e+01, v8;
	v36 =	vld.idx.msk [tilespmem:v12+s4+$0x0], $0xffff  }
0xe3: {  	v24 =	vclamp.gez.f32 v17, $1.899999810e+01;
	v25 =	vmul.f32 $1.900000000e+01, v9;
	v17 =	vld.idx.msk [tilespmem:v11+s4+$0x0], $0xffff  }
0xe4: {  	v28 =	vclamp.gez.f32 v16, $1.899999810e+01;
	v26 =	vmul.f32 $1.900000000e+01, v27;
	v19 =	vld.idx.msk [tilespmem:v13+s4+$0x0], $0xffff  }
0xe5: {  	v32 =	vclamp.gez.f32 v18, $1.899999810e+01;
	v23 =	vclamp.gez.f32 v23, $1.899999810e+01;
	v16 =	vld.idx.msk [tilespmem:v30+s4+$0x0], $0xffff  }
0xe6: {  	v37 =	vclamp.gez.f32 v25, $1.899999810e+01;
	v26 =	vclamp.gez.f32 v26, $1.899999810e+01;
	v18 =	vld.idx.msk [tilespmem:v35+s4+$0x0], $0xffff  }
0xe7: {  	v20 =	vtrunc.f32 v20;
	v26 =	vtrunc.f32 v26;
	v38 =	vld.idx.msk [tilespmem:v21+s4+$0x0], $0xffff  }
0xe8: {  	v24 =	vtrunc.f32 v24;
	v39 =	vtrunc.f32 v28;
	v25 =	vld.idx.msk [tilespmem:v15+s14+$0x0], $0xffff  }
0xe9: {  	v28 =	vtrunc.f32 v32;
	v32 =	vtrunc.f32 v23;
	v40 =	vld.idx.msk [tilespmem:v21+s14+$0x0], $0xffff  }
0xea: {  	v37 =	vtrunc.f32 v37;
	v15 =	vcvt.f32.s32 v26;
	v26 =	vld.idx.msk [tilespmem:v14+s14+$0x0], $0xffff  }
.Ltmp10:
0xeb: {  	v14 =	vcvt.f32.s32 v20;
	v23 =	vld.idx.msk [tilespmem:v12+s14+$0x0], $0xffff;
	v12 =	vcvt.f32.s32 v24;
	(pc) =	sbr.rel @p0 .LBB2_17-.Ltmp10, $4  }
0xec: {  	v41 =	vcvt.f32.s32 v28;
	v28 =	vld.idx.msk [tilespmem:v11+s14+$0x0], $0xffff;
	v11 =	vcvt.f32.s32 v39  }
0xed: {  	v21 =	vcvt.f32.s32 v32;
	v33 =	vmul.f32 v38, v33;
	v24 =	vld.idx.msk [tilespmem:v13+s14+$0x0], $0xffff  }
0xee: {  	v32 =	vmul.f32 v22, v10;
	v10 =	vmovc v27;
	v20 =	vcvt.f32.s32 v37;
	v13 =	vmov v41;
	v22 =	vld.idx.msk [tilespmem:v30+s14+$0x0], $0xffff  }
0xef: {  	s26 =	sadd.s32 $0x100, s26;
	v31 =	vmul.f32 v31, v34;
	v29 =	vmul.f32 v36, v29;
	v30 =	vadd.f32 v33, v40;
	v27 =	vld.idx.msk [tilespmem:v35+s14+$0x0], $0xffff  }
0xf0: {  	_ =	sdelay $0x3  }
0xf1: {  	v33 =	vld.idx.msk [tilespmem:v15+s4+$0x0], $0xffff  }
0xf2: {  	v34 =	vld.idx.msk [tilespmem:v14+s4+$0x0], $0xffff  }
0xf3: {  	v35 =	vld.idx.msk [tilespmem:v12+s4+$0x0], $0xffff  }
0xf4: {  	v36 =	vld.idx.msk [tilespmem:v11+s4+$0x0], $0xffff  }
0xf5: {  	v37 =	vld.idx.msk [tilespmem:v13+s4+$0x0], $0xffff  }
0xf6: {  	v25 =	vadd.f32 v32, v25;
	s24 =	sadd.s32 $0x100, s24;
	v52 =	vld.idx.msk [tilespmem:v21+s4+$0x0], $0xffff  }
0xf7: {  	v6 =	vmul.f32 v17, v6;
	v54 =	vld.idx.msk [tilespmem:v20+s4+$0x0], $0xffff;
	[tilespmem:s24+$0x0] =	vst v30;
	v53 =	vadd.f32 v31, v26  }
0xf8: {  	v7 =	vmul.f32 v19, v7;
	v56 =	vld.idx.msk [tilespmem:v15+s14+$0x0], $0xffff;
	v55 =	vadd.f32 v29, v23;
	[tilespmem:s23+$0xFFFFFF90] =	vst v25  }
0xf9: {  	v1 =	vmul.f32 v16, v1;
	v57 =	vld.idx.msk [tilespmem:v14+s14+$0x0], $0xffff;
	v6 =	vadd.f32 v6, v28;
	[tilespmem:s23+$0xFFFFFFA0] =	vst v53  }
0xfa: {  	v0 =	vmul.f32 v18, v0;
	v58 =	vld.idx.msk [tilespmem:v12+s14+$0x0], $0xffff;
	v7 =	vadd.f32 v7, v24;
	[tilespmem:s23+$0xFFFFFFB0] =	vst v55  }
0xfb: {  	v59 =	vld.idx.msk [tilespmem:v11+s14+$0x0], $0xffff;
	v1 =	vadd.f32 v1, v22;
	[tilespmem:s23+$0xFFFFFFC0] =	vst v6;
	v10 =	vmul.f32 v33, v10  }
0xfc: {  	v60 =	vld.idx.msk [tilespmem:v13+s14+$0x0], $0xffff;
	v0 =	vadd.f32 v0, v27;
	[tilespmem:s23+$0xFFFFFFD0] =	vst v7;
	v4 =	vmul.f32 v34, v4  }
0xfd: {  	v61 =	vld.idx.msk [tilespmem:v21+s14+$0x0], $0xffff;
	[tilespmem:s23+$0xFFFFFFE0] =	vst v1;
	v2 =	vmul.f32 v35, v2;
	v10 =	vadd.f32 v10, v56  }
0xfe: {  	v62 =	vld.idx.msk [tilespmem:v20+s14+$0x0], $0xffff;
	v3 =	vmul.f32 v36, v3;
	[tilespmem:s23+$0xFFFFFFF0] =	vst v0;
	v4 =	vadd.f32 v4, v57  }
0xff: {  	v5 =	vmul.f32 v37, v5;
	v2 =	vadd.f32 v2, v58;
	[tilespmem:s24+$0xFFFFFF90] =	vst v10  }
0x100: {  	v8 =	vmul.f32 v52, v8;
	v3 =	vadd.f32 v3, v59;
	[tilespmem:s24+$0xFFFFFFA0] =	vst v4  }
0x101: {  	v63 =	vmul.f32 v54, v9;
	v5 =	vadd.f32 v5, v60;
	[tilespmem:s24+$0xFFFFFFB0] =	vst v2  }
0x102: {  	v1 =	vadd.f32 v8, v61;
	[tilespmem:s24+$0xFFFFFFC0] =	vst v3  }
0x103: {  	s22 =	sadd.s32 s22, s2;
	v0 =	vadd.f32 v63, v62;
	[tilespmem:s24+$0xFFFFFFD0] =	vst v5  }
0x104: {  	s25 =	simm.s32 $0x8280;
	s22 =	sadd.s32 $0x800, s22;
	[tilespmem:s24+$0xFFFFFFE0] =	vst v1  }
0x105: {  	s26 =	sadd.s32 $0x0, s22;
	s23 =	simm.s32 $0x8180;
	[tilespmem:s24+$0xFFFFFFF0] =	vst v0;
	s24 =	simm.s32 $0x10  }
.LBB2_19:
0x106: {  	[hbm4b:s26+s4] =	stream.linear.scatter [tilespmem:s23], [sflag:$0x4], $0x80, $0x38;
	[tilespmem:$0x10100] =	vst v63  }
0x107: {  	s26 =	smov.u32 s24;
	s23 =	smov.u32 s25;
	p0 =	sne.s32 s24, $0x7F0  }
.Ltmp11:
0x108: {  	s24 =	sadd.s32 $0x10, s24;
	(pc) =	sbr.rel @p0 .LBB2_19-.Ltmp11, $2  }
0x109: {  	_ =	sdelay $0x2  }
0x10a: {  	s25 =	sadd.s32 $0x100, s25;
	s26 =	sadd.s32 s26, s22  }
0x10b: {  	p0 =	seq.s32 s20, $0xF  }
.Ltmp12:
0x10c: {  	_ = 	snop;
	(pc) =	sbr.rel @p0 .LBB2_24-.Ltmp12, $2  }
0x10d: {  	_ =	sdelay $0x2  }
0x10e: {  	[hbm4b:s26+s4] =	stream.linear.scatter [tilespmem:s23], [sflag:$0x4], $0x80, $0x38;
	[tilespmem:$0x10100] =	vst v63  }
0x10f: {  	s21 =	sadd.s32 s21, s11  }
0x110: {  	s21 =	sshrl.u32 s21, $0x3  }
0x111: {  	s22 =	simm.s32 $0x180;
	s21 =	sadd.s32 s1, s21  }
0x112: {  	s23 =	simm.s32 $0x10;
	s24 =	simm.s32 $0x280;
	s25 =	sadd.s32 $0x0, s21  }
.LBB2_22:
0x113: {  	[tilespmem:s22], [sflag:$0x2] =	stream.linear.gather [hbm4b:s25+s4], $0x80, $0x38;
	[tilespmem:$0x10100] =	vst v63  }
0x114: {  	s25 =	smov.u32 s23;
	s22 =	smov.u32 s24;
	p0 =	sne.s32 s23, $0x7F0  }
.Ltmp13:
0x115: {  	s23 =	sadd.s32 $0x10, s23;
	(pc) =	sbr.rel @p0 .LBB2_22-.Ltmp13, $2  }
0x116: {  	_ =	sdelay $0x2  }
0x117: {  	s24 =	sadd.s32 $0x100, s24;
	s25 =	sadd.s32 s25, s21  }
.Ltmp14:
0x118: {  	(pc) =	sbr.rel .LBB2_6-.Ltmp14, $3  }
0x119: {  	_ =	sdelay $0x1  }
0x11a: {  	[tilespmem:s22], [sflag:$0x2] =	stream.linear.gather [hbm4b:s25+s4], $0x80, $0x38;
	[tilespmem:$0x10100] =	vst v63  }
0x11b: {  	s20 =	sadd.s32 $0x1, s20  }
.LBB2_25:
0x11c: {  	_ =	sfence.sel $0x180000  }
0x11d: {  	[bflag:$0x0] =	sbarrier.arrive $0xFFFF  }
0x11e: {  	p0 =	sne.s32 s3, $0x0;
	_ =	strace $0x90000047  }
0x11f: {  	s0 =	sadd.s32 @!p0 $0x100000, s0;
	[bflag:$0x2] =	sbarrier.arrive $0xFFFF  }
0x120: {  	[sflag:s0] =	ssyncadd.tile.s32 @!p0 $0x1;
	_ =	shalt  }
.Lfunc_end2:
_tile_overlayer_lowered:
.L_overlay_start_2:
0x121: {  	(tag) =	ssettag $0x2  }
0x122: {  	s0 =	rddreg [dreg:$0x0];
	s2 =	stileid.u32  }
0x123: {  	s1 =	rddreg [dreg:$0x1];
	p0 =	sne.s32 s2, $0x0  }
0x124: {  	s3 =	rddreg [dreg:$0x2];
	[bflag:$0x3] =	sbarrier.arrive $0xFFFF;
	s2 =	simm.s32 @!p0 $0x1C05  }
0x125: {  	[timem:s3], [sflag:s2] =	dma.local @!p0 [hbm:s0], s1  }
0x126: {  	s0 =	simm.s32 @!p0 $0x5  }
0x127: {  	_ =	swait.ge @!p0 [sflag:s0], s1  }
0x128: {  	s1 =	ssub.s32 @!p0 $0x0, s1;
	[sflag:s0] =	ssyncset.done @!p0 $0x0  }
0x129: {  	[sflag:s0] =	ssyncadd.s32 @!p0 s1  }
0x12a: {  	[bflag:$0x3] =	sbarrier.arrive $0xFFFF  }
0x12b: {  	_ =	shalt  }

</sc_bundles>
